<compile_context>
chip_gen: v7x
topology: tpu7x:2x2x1
jax: 0.10.2.dev20260603
libtpu: 0.0.44.dev20260713+nightly
codegen_flags: <defaults>
</compile_context>

<pallas_src>
import functools

import jax
import jax.numpy as jnp
import numpy as np
from jax import lax
from jax.experimental import pallas as pl
from jax.experimental.pallas import tpu as pltpu
from jax.experimental.pallas import tpu_sc as plsc

BOUND = 1.0
NUM_LEVELS = 16
LEVEL_DIM = 2
BASE_RES = 16
LOG2_HASH = 19
MAX_RES = 2048
W_MLP = 64
N_GEO = 15
OUT_CH = 1 + N_GEO
ENC_DIM = NUM_LEVELS * LEVEL_DIM
PRIME1 = np.int32(np.int64(2654435761) - (1 << 32))
PRIME2 = np.int32(805459861)
HASH_MASK = np.int32((1 << LOG2_HASH) - 1)


def _levels():
    g = np.exp((np.log(MAX_RES) - np.log(BASE_RES)) / (NUM_LEVELS - 1))
    out, off = [], 0
    for l in range(NUM_LEVELS):
        res = int(np.floor(BASE_RES * (g**l)))
        size = min((res + 1) ** 3, 2**LOG2_HASH)
        size = int(np.ceil(size / 8) * 8)
        dense = (res + 1) ** 3 <= size
        out.append(dict(res=res, size=size, off=off, dense=dense))
        off += size
    return out, off


LEVELS, TOTAL_ROWS = _levels()

NUM_CORES = 2
NUM_SUBCORES = 16
NW = NUM_CORES * NUM_SUBCORES
LANES = 16

C = 256
NBLK = C // LANES
GW = 8
N_RES = 2
RES_GRAN = LEVELS[N_RES]["off"] // 4
N_SH = 5
SH_GRAN = (LEVELS[N_SH]["off"] - LEVELS[N_RES]["off"]) // 4
SH_PER_TILE = SH_GRAN // NUM_SUBCORES

NB = TOTAL_ROWS // 128
NBW = NB // NW
CB = 64
NCH = -(-NBW // CB)


def _sc_repack_body(L, t8, in_v, out_v, sem):
    wid = lax.axis_index("s") * NUM_CORES + lax.axis_index("c")
    wbase = wid * NBW
    lanes = lax.iota(jnp.int32, LANES)

    def chunk(t, _):
        boff = jnp.minimum(t * CB, NBW - CB)
        gb = wbase + boff
        pltpu.sync_copy(L.at[pl.ds(gb, CB), :, :], in_v)

        def blk_body(blk, _):
            pbase = blk * 256 + 2 * lanes
            for i in range(8):
                v0 = in_v[blk, 0, pl.ds(i * 16, LANES)]
                v1 = in_v[blk, 1, pl.ds(i * 16, LANES)]
                pv = pbase + (2 * 16 * i)
                plsc.store_scatter(
                    out_v, [lax.shift_right_logical(pv, 3), pv & 7], v0)
                pv1 = pv + 1
                plsc.store_scatter(
                    out_v, [lax.shift_right_logical(pv1, 3), pv1 & 7], v1)
            return 0

        lax.fori_loop(0, CB, blk_body, 0)
        pltpu.sync_copy(out_v, t8.at[pl.ds(gb * 32, CB * 32), :])
        return 0

    lax.fori_loop(0, NCH, chunk, 0)


@jax.jit
def _sc_repack(L):
    mesh = plsc.VectorSubcoreMesh(
        core_axis_name="c", subcore_axis_name="s",
        num_cores=NUM_CORES, num_subcores=NUM_SUBCORES)
    return pl.kernel(
        _sc_repack_body,
        out_type=jax.ShapeDtypeStruct((TOTAL_ROWS // 4, GW), jnp.float32),
        mesh=mesh,
        compiler_params=pltpu.CompilerParams(
            needs_layout_passes=False, use_tc_tiling_on_sc=False),
        scratch_types=[
            pltpu.VMEM((CB, 2, 128), jnp.float32),
            pltpu.VMEM((CB * 32, GW), jnp.float32),
            pltpu.SemaphoreType.DMA,
        ],
    )(L)


def _sc_encode_body(xyz, table, enc_hbm,
                    xyz_v, x01x, x01y, x01z,
                    fxa, fya, fza, fxb, fyb, fzb,
                    idxa, idxb, rla, rlb, valsa, valsb,
                    enc_v, tab01_v, tabsh_v, sema, semb, n_points):
    pw = n_points // NW
    nchunks = pw // C
    wid = lax.axis_index("s") * NUM_CORES + lax.axis_index("c")
    wbase = wid * pw
    lanes = lax.iota(jnp.int32, LANES)
    col0 = jnp.zeros((LANES,), jnp.int32)
    bufs = [(fxa, fya, fza, idxa, rla, valsa, sema),
            (fxb, fyb, fzb, idxb, rlb, valsb, semb)]

    def run_passA(li, lv):
        fx, fy, fz, idx_v, rl_v, _, _ = bufs[li % 2]
        scale = np.float32(lv["res"] - 1)
        R = np.int32(lv["res"] + 1)
        off = np.int32(lv["off"])

        def passA(i0, scale=scale, R=R, off=off, dense=lv["dense"]):
            px = x01x[pl.ds(i0, LANES)] * scale
            py = x01y[pl.ds(i0, LANES)] * scale
            pz = x01z[pl.ds(i0, LANES)] * scale
            ix0 = px.astype(jnp.int32)
            iy0 = py.astype(jnp.int32)
            iz0 = pz.astype(jnp.int32)
            fx[pl.ds(i0, LANES)] = px - ix0.astype(jnp.float32)
            fy[pl.ds(i0, LANES)] = py - iy0.astype(jnp.float32)
            fz[pl.ds(i0, LANES)] = pz - iz0.astype(jnp.float32)
            ix1 = ix0 + 1
            iy1 = iy0 + 1
            iz1 = iz0 + 1
            if dense:
                ya = iy0 * R
                yb = iy1 * R
                za = iz0 * (R * R) + off
                zb = iz1 * (R * R) + off
            else:
                ya = iy0 * PRIME1
                yb = iy1 * PRIME1
                za = iz0 * PRIME2
                zb = iz1 * PRIME2
            gsub = np.int32(RES_GRAN if N_RES <= li < N_SH else 0)
            for c in range(8):
                xi = ix1 if (c & 1) else ix0
                yi = yb if (c & 2) else ya
                zi = zb if (c & 4) else za
                if dense:
                    r = xi + yi + zi
                else:
                    r = ((xi ^ yi ^ zi) & HASH_MASK) + off
                e = c * C + i0
                idx_v[pl.ds(e, LANES)] = lax.shift_right_logical(r, 2) - gsub
                rl_v[pl.ds(e, LANES)] = (r & 3) * 2

        plsc.parallel_loop(0, C, LANES, unroll=2)(passA)

    def gather_copy(li):
        _, _, _, idx_v, _, vals_v, sem = bufs[li % 2]
        src = tabsh_v if N_RES <= li < N_SH else table
        return pltpu.make_async_copy(src.at[idx_v], vals_v, sem)

    def run_passB(li):
        fx, fy, fz, idx_v, rl_v, vals_v, _ = bufs[li % 2]
        resident = li < N_RES

        def passB(i0, li=li):
            fxv = fx[pl.ds(i0, LANES)]
            fyv = fy[pl.ds(i0, LANES)]
            fzv = fz[pl.ds(i0, LANES)]
            gx = 1.0 - fxv
            gy = 1.0 - fyv
            gz = 1.0 - fzv
            rowb = i0 + lanes
            acc0 = jnp.zeros((LANES,), jnp.float32)
            acc1 = jnp.zeros((LANES,), jnp.float32)
            for c in range(8):
                wx = fxv if (c & 1) else gx
                wy = fyv if (c & 2) else gy
                wz = fzv if (c & 4) else gz
                w = (wx * wy) * wz
                rl = rl_v[pl.ds(c * C + i0, LANES)]
                if resident:
                    rows = idx_v[pl.ds(c * C + i0, LANES)]
                    src = tab01_v
                else:
                    rows = rowb + np.int32(c * C)
                    src = vals_v
                v0 = plsc.load_gather(src, [rows, rl])
                v1 = plsc.load_gather(src, [rows, rl + 1])
                acc0 = acc0 + v0 * w
                acc1 = acc1 + v1 * w
            f0 = 2 * li
            f1 = 2 * li + 1
            tloc = lax.shift_right_logical(i0, 7)
            cb = i0 & 127
            enc_v[f0 >> 3, tloc, f0 & 7, pl.ds(cb, LANES)] = acc0
            enc_v[f1 >> 3, tloc, f1 & 7, pl.ds(cb, LANES)] = acc1

        plsc.parallel_loop(0, C, LANES, unroll=2)(passB)

    pltpu.sync_copy(table.at[pl.ds(0, RES_GRAN), :], tab01_v)
    sid = lax.axis_index("s")
    pltpu.sync_copy(
        table.at[pl.ds(RES_GRAN + sid * SH_PER_TILE, SH_PER_TILE), :],
        tabsh_v.at[pl.ds(sid * SH_PER_TILE, SH_PER_TILE), :])
    plsc.subcore_barrier()

    def chunk_body(k, _):
        pb = wbase + k * C
        pltpu.sync_copy(xyz.at[pl.ds(pb, C), :], xyz_v)

        def norm_body(i0):
            rows = i0 + lanes
            for d, ref in enumerate((x01x, x01y, x01z)):
                v = plsc.load_gather(xyz_v, [rows, col0 + d])
                v = v * (0.5 / BOUND) + 0.5
                v = jnp.minimum(jnp.maximum(v, 0.0), 1.0)
                ref[pl.ds(i0, LANES)] = v

        plsc.parallel_loop(0, C, LANES, unroll=2)(norm_body)

        for li in range(N_RES):
            run_passA(li, LEVELS[li])
            run_passB(li)

        run_passA(N_RES, LEVELS[N_RES])
        gather_copy(N_RES).start()
        for li in range(N_RES, NUM_LEVELS):
            if li + 1 < NUM_LEVELS:
                run_passA(li + 1, LEVELS[li + 1])
                gather_copy(li + 1).start()
            gather_copy(li).wait()
            run_passB(li)

        pltpu.sync_copy(
            enc_v, enc_hbm.at[:, pl.ds(lax.shift_right_logical(pb, 7), C // 128), :, :])
        return 0

    lax.fori_loop(0, nchunks, chunk_body, 0)


@functools.partial(jax.jit, static_argnames=("n_points",))
def _sc_encode(xyz, table, n_points):
    mesh = plsc.VectorSubcoreMesh(
        core_axis_name="c", subcore_axis_name="s",
        num_cores=NUM_CORES, num_subcores=NUM_SUBCORES)
    body = functools.partial(_sc_encode_body, n_points=n_points)
    return pl.kernel(
        body,
        out_type=jax.ShapeDtypeStruct((ENC_DIM // 8, n_points // 128, 8, 128),
                                      jnp.float32),
        mesh=mesh,
        compiler_params=pltpu.CompilerParams(
            needs_layout_passes=False, use_tc_tiling_on_sc=False),
        scratch_types=(
            [pltpu.VMEM((C, 3), jnp.float32)]
            + [pltpu.VMEM((C,), jnp.float32)] * 9
            + [pltpu.VMEM((8 * C,), jnp.int32)] * 4
            + [pltpu.VMEM((8 * C, GW), jnp.float32)] * 2
            + [pltpu.VMEM((ENC_DIM // 8, C // 128, 8, 128), jnp.float32)]
            + [pltpu.VMEM((RES_GRAN, GW), jnp.float32)]
            + [pltpu.VMEM_SHARED((SH_GRAN, GW), jnp.float32)]
            + [pltpu.SemaphoreType.DMA] * 2
        ),
    )(xyz, table)


BM = 4096


def _mlp_body(x_ref, w0_ref, b0_ref, w1_ref, b1_ref, wo_ref, bo_ref,
              sig_ref, geo_ref):
    x = x_ref[...]
    h = jnp.maximum(
        lax.dot_general(w0_ref[...], x, (((1,), (0,)), ((), ())),
                        preferred_element_type=jnp.float32)
        + b0_ref[...], 0.0)
    h = jnp.maximum(
        lax.dot_general(w1_ref[...], h, (((1,), (0,)), ((), ())),
                        preferred_element_type=jnp.float32)
        + b1_ref[...], 0.0)
    o = (lax.dot_general(wo_ref[...], h, (((1,), (0,)), ((), ())),
                         preferred_element_type=jnp.float32)
         + bo_ref[...])
    sig_ref[...] = jnp.exp(jnp.clip(o[0:1, :], -15.0, 15.0))
    geo_ref[...] = o[1:, :]


@jax.jit
def _tc_mlp(encT, w0t, b0c, w1t, b1c, wot, boc):
    n = encT.shape[1]
    grid = (n // BM,)
    full = lambda shape: pl.BlockSpec(shape, lambda i: (0, 0))
    sig, geoT = pl.pallas_call(
        _mlp_body,
        grid=grid,
        in_specs=[
            pl.BlockSpec((ENC_DIM, BM), lambda i: (0, i)),
            full((W_MLP, ENC_DIM)),
            full((W_MLP, 1)),
            full((W_MLP, W_MLP)),
            full((W_MLP, 1)),
            full((OUT_CH, W_MLP)),
            full((OUT_CH, 1)),
        ],
        out_specs=[
            pl.BlockSpec((1, BM), lambda i: (0, i)),
            pl.BlockSpec((N_GEO, BM), lambda i: (0, i)),
        ],
        out_shape=[
            jax.ShapeDtypeStruct((1, n), jnp.float32),
            jax.ShapeDtypeStruct((N_GEO, n), jnp.float32),
        ],
    )(encT, w0t, b0c, w1t, b1c, wot, boc)
    return sig, geoT


def kernel(xyzs, table, W0, b0, W1, b1, Wout, bout):
    n = xyzs.shape[0]
    L = table.reshape(-1, 128, 2).transpose(0, 2, 1)
    table8 = _sc_repack(L)
    enc4 = _sc_encode(xyzs, table8, n)
    encT = enc4.transpose(0, 2, 1, 3).reshape(ENC_DIM, n)
    sig, geoT = _tc_mlp(encT, W0.T, b0[:, None], W1.T, b1[:, None],
                        Wout.T, bout[:, None])
    return (sig.reshape(n), geoT.T)

# --- scband reference (transcript-rebuilt; emitter-appended) ---
"""Pipeline reference for scband-hash-grid-17746804867470 (READ-ONLY COPY).

The authoritative reference and input builder live on the scoring server;
editing this copy changes nothing except your own understanding.
"""

import jax, jax.numpy as jnp
import numpy as np

BOUND = 1.0
NUM_LEVELS = 16
LEVEL_DIM = 2
BASE_RES = 16
LOG2_HASH = 19
MAX_RES = 2048
W_MLP = 64
N_GEO = 15
OUT_CH = 1 + N_GEO
N_POINTS = 262144
PRIMES = (1, 2654435761, 805459861)


def _level_meta():
    g = np.exp((np.log(MAX_RES) - np.log(BASE_RES)) / (NUM_LEVELS - 1))
    res_list, sizes, offsets = [], [], [0]
    for l in range(NUM_LEVELS):
        res = int(np.floor(BASE_RES * (g ** l)))
        size = min((res + 1) ** 3, 2 ** LOG2_HASH)
        size = int(np.ceil(size / 8) * 8)
        res_list.append(res)
        sizes.append(size)
        offsets.append(offsets[-1] + size)
    return res_list, sizes, offsets

RES_LIST, SIZES, OFFSETS = _level_meta()
TOTAL_ROWS = OFFSETS[-1]
CORNERS = np.array([[(c >> d) & 1 for d in range(3)] for c in range(8)], dtype=np.uint32)


def hash_encode(xyzs, table):
    # normalize [-bound, bound] -> [0, 1]
    x01 = jnp.clip((xyzs + BOUND) / (2.0 * BOUND), 0.0, 1.0)
    corners = jnp.asarray(CORNERS)
    feats = []
    for l in range(NUM_LEVELS):
        res, size, off = RES_LIST[l], SIZES[l], OFFSETS[l]
        scale = float(res - 1)
        pos = x01 * scale
        p0 = jnp.floor(pos)
        frac = pos - p0
        p0u = p0.astype(jnp.uint32)
        cpos = p0u[:, None, :] + corners[None, :, :]  # [N, 8, 3]
        if (res + 1) ** 3 <= size:
            idx = (cpos[..., 0]
                   + cpos[..., 1] * jnp.uint32(res + 1)
                   + cpos[..., 2] * jnp.uint32((res + 1) ** 2))
        else:
            idx = ((cpos[..., 0] * jnp.uint32(PRIMES[0]))
                   ^ (cpos[..., 1] * jnp.uint32(PRIMES[1]))
                   ^ (cpos[..., 2] * jnp.uint32(PRIMES[2])))
        idx = (idx % jnp.uint32(size)).astype(jnp.int32) + off
        vals = jnp.take(table, idx, axis=0)  # [N, 8, LEVEL_DIM] gather
        cw = jnp.where(corners[None, :, :] == 1, frac[:, None, :], 1.0 - frac[:, None, :])
        w = jnp.prod(cw, axis=-1)  # trilinear weights [N, 8]
        feats.append(jnp.sum(vals * w[..., None], axis=1))
    return jnp.concatenate(feats, axis=-1)  # [N, NUM_LEVELS*LEVEL_DIM]


def mlp(h, W0, b0, W1, b1, Wout, bout):
    h = jax.nn.relu(h @ W0 + b0)
    h = jax.nn.relu(h @ W1 + b1)
    return h @ Wout + bout


def setup_inputs(seed: int = 0):
    key = jax.random.key(seed)
    ks = jax.random.split(key, 8)
    xyzs = jax.random.uniform(ks[0], (N_POINTS, 3), dtype=jnp.float32)
    table = (jax.random.uniform(ks[1], (TOTAL_ROWS, LEVEL_DIM), dtype=jnp.float32) * 2.0 - 1.0) * 1e-4
    in_dim = NUM_LEVELS * LEVEL_DIM
    W0 = jax.random.normal(ks[2], (in_dim, W_MLP), dtype=jnp.float32) * (1.0 / np.sqrt(in_dim))
    b0 = jnp.zeros((W_MLP,), dtype=jnp.float32)
    W1 = jax.random.normal(ks[3], (W_MLP, W_MLP), dtype=jnp.float32) * (1.0 / np.sqrt(W_MLP))
    b1 = jnp.zeros((W_MLP,), dtype=jnp.float32)
    Wout = jax.random.normal(ks[4], (W_MLP, OUT_CH), dtype=jnp.float32) * (1.0 / np.sqrt(W_MLP))
    bout = jnp.zeros((OUT_CH,), dtype=jnp.float32)
    return {"xyzs": xyzs, "table": table, "W0": W0, "b0": b0, "W1": W1, "b1": b1, "Wout": Wout, "bout": bout}


def reference(xyzs, table, W0, b0, W1, b1, Wout, bout):
    enc = hash_encode(xyzs, table)
    out = mlp(enc, W0, b0, W1, b1, Wout, bout)
    sigmas = jnp.exp(jnp.clip(out[..., 0], -15.0, 15.0))  # trunc_exp density activation
    geo_features = out[..., 1:]
    return (sigmas, geo_features)

if __name__ == "__main__":
    import jax
    _d = setup_inputs()
    print(jax.jit(kernel)(*tuple(_d.values())))

</pallas_src>

<mosaic_0001>
#map = affine_map<(d0, d1) -> (0, 0, 0)>
#map1 = affine_map<(d0, d1) -> (0, 0)>
module attributes {stable_mosaic.version = 14 : i64} {
  func.func @_sc_repack_body(%arg0: i32, %arg1: i32, %arg2: memref<47648x2x128xf32, #tpu.memory_space<hbm>>, %arg3: memref<1524736x8xf32, #tpu.memory_space<hbm>>, %arg4: memref<64x2x128xf32, #tpu.memory_space<vmem>>, %arg5: memref<2048x8xf32, #tpu.memory_space<vmem>>, %arg6: memref<!tpu.dma_semaphore, #tpu.memory_space<semaphore_mem>>) attributes {dimension_semantics = [#tpu.dimension_semantics<core_parallel>, #tpu.dimension_semantics<subcore_parallel>], iteration_bounds = array<i64: 2, 16>, scalar_prefetch = 0 : i64, scratch_operands = 3 : i64, tpu.core_type = #tpu.core_type<sc_vector_subcore>, window_params = [{transform_indices = #map}, {transform_indices = #map1}]} {
    %mul3A = arith.constant 2 : i32
    %mul3A_0 = arith.muli %arg1, %mul3A : i32
    %add3A = arith.addi %mul3A_0, %arg0 : i32
    %mul3A_1 = arith.constant 1489 : i32
    %mul3A_2 = arith.muli %add3A, %mul3A_1 : i32
    %iota3A = tpu.iota {dimensions = array<i32: 0>} : vector<16xi32>
    %scan3A = arith.constant 0 : i32
    %scan3A_3 = arith.constant 0 : i32
    %scan3A_4 = arith.constant 24 : i32
    %scan3A_5 = arith.addi %scan3A_3, %scan3A_4 : i32
    %scan3A_6 = arith.constant 1 : i32
    %scan3A_7 = scf.for %scan3A_9 = %scan3A_3 to %scan3A_5 step %scan3A_6 iter_args(%scan3A_10 = %scan3A) -> (i32)  : i32 {
      %mul3A_11 = arith.constant 64 : i32
      %mul3A_12 = arith.muli %scan3A_9, %mul3A_11 : i32
      %min3A = arith.constant 1425 : i32
      %min3A_13 = arith.minsi %mul3A_12, %min3A : i32
      %add3A_14 = arith.addi %mul3A_2, %min3A_13 : i32
      "tpu.region"() ({
        %run_scoped3A = tpu.sem_alloc : memref<!tpu.dma_semaphore, #tpu.memory_space<semaphore_mem>>
        %dma_start3A = arith.constant 0 : i32
        %dma_start3A_25 = arith.constant 0 : i32
        %dma_start3A_26 = tpu.memref_slice %arg2[%add3A_14, %dma_start3A, %dma_start3A_25] : memref<47648x2x128xf32, #tpu.memory_space<hbm>> -> memref<64x2x128xf32, #tpu.memory_space<hbm>>
        %dma_start3A_27 = arith.constant 0 : i32
        %dma_start3A_28 = arith.constant 0 : i32
        %dma_start3A_29 = tpu.memref_slice %arg2[%add3A_14, %dma_start3A_27, %dma_start3A_28] : memref<47648x2x128xf32, #tpu.memory_space<hbm>> -> memref<64x2x128xf32, #tpu.memory_space<hbm>>
        tpu.enqueue_dma source(%dma_start3A_29 : memref<64x2x128xf32, #tpu.memory_space<hbm>>) target(%arg4 : memref<64x2x128xf32, #tpu.memory_space<vmem>>) target_semaphore(%run_scoped3A : memref<!tpu.dma_semaphore, #tpu.memory_space<semaphore_mem>>)
        %dma_wait3A = arith.constant 0 : i32
        %dma_wait3A_30 = arith.constant 0 : i32
        %dma_wait3A_31 = tpu.memref_slice %arg2[%add3A_14, %dma_wait3A, %dma_wait3A_30] : memref<47648x2x128xf32, #tpu.memory_space<hbm>> -> memref<64x2x128xf32, #tpu.memory_space<hbm>>
        %dma_wait3A_32 = arith.constant 0 : i32
        %dma_wait3A_33 = arith.constant 0 : i32
        %dma_wait3A_34 = tpu.memref_slice %arg2[%add3A_14, %dma_wait3A_32, %dma_wait3A_33] : memref<47648x2x128xf32, #tpu.memory_space<hbm>> -> memref<64x2x128xf32, #tpu.memory_space<hbm>>
        tpu.wait_dma2 semaphore(%run_scoped3A : memref<!tpu.dma_semaphore, #tpu.memory_space<semaphore_mem>>) src(%dma_wait3A_34 : memref<64x2x128xf32, #tpu.memory_space<hbm>>) dst(%arg4 : memref<64x2x128xf32, #tpu.memory_space<vmem>>)
        tpu.yield
      }) : () -> ()
      %scan3A_15 = arith.constant 0 : i32
      %scan3A_16 = arith.constant 0 : i32
      %scan3A_17 = arith.constant 64 : i32
      %scan3A_18 = arith.addi %scan3A_16, %scan3A_17 : i32
      %scan3A_19 = arith.constant 1 : i32
      %scan3A_20 = scf.for %scan3A_25 = %scan3A_16 to %scan3A_18 step %scan3A_19 iter_args(%scan3A_26 = %scan3A_15) -> (i32)  : i32 {
        %mul3A_27 = arith.constant 256 : i32
        %mul3A_28 = arith.muli %scan3A_25, %mul3A_27 : i32
        %mul3A_29 = arith.constant 2 : i32
        %mul3A_30 = vector.broadcast %mul3A_29 : i32 to vector<16xi32>
        %mul3A_31 = arith.muli %mul3A_30, %iota3A : vector<16xi32>
        %add3A_32 = vector.broadcast %mul3A_28 : i32 to vector<16xi32>
        %add3A_33 = arith.addi %add3A_32, %mul3A_31 : vector<16xi32>
        %get3A = arith.constant 0 : i32
        %get3A_34 = arith.index_cast %scan3A_25 : i32 to index
        %get3A_35 = arith.index_cast %get3A : i32 to index
        %get3A_36 = arith.constant 0 : index
        %get3A_37 = tpu.vector_load %arg4[%get3A_34, %get3A_35, %get3A_36] {strides = array<i32>} : memref<64x2x128xf32, #tpu.memory_space<vmem>>, vector<16xf32>,
        %get3A_38 = arith.constant 1 : i32
        %get3A_39 = arith.index_cast %scan3A_25 : i32 to index
        %get3A_40 = arith.index_cast %get3A_38 : i32 to index
        %get3A_41 = arith.constant 0 : index
        %get3A_42 = tpu.vector_load %arg4[%get3A_39, %get3A_40, %get3A_41] {strides = array<i32>} : memref<64x2x128xf32, #tpu.memory_space<vmem>>, vector<16xf32>,
        %add3A_43 = arith.constant 0 : i32
        %add3A_44 = vector.broadcast %add3A_43 : i32 to vector<16xi32>
        %add3A_45 = arith.addi %add3A_33, %add3A_44 : vector<16xi32>
        %shift_right_logical3A = arith.constant 3 : i32
        %shift_right_logical3A_46 = vector.broadcast %shift_right_logical3A : i32 to vector<16xi32>
        %shift_right_logical3A_47 = arith.shrui %add3A_45, %shift_right_logical3A_46 : vector<16xi32>
        %and3A = arith.constant 7 : i32
        %and3A_48 = vector.broadcast %and3A : i32 to vector<16xi32>
        %and3A_49 = arith.andi %add3A_45, %and3A_48 : vector<16xi32>
        tpu.vector_store_idx %arg5[%shift_right_logical3A_47, %and3A_49], %get3A_37 : memref<2048x8xf32, #tpu.memory_space<vmem>>[vector<16xi32>, vector<16xi32>], vector<16xf32>,
        %add3A_50 = arith.constant 1 : i32
        %add3A_51 = vector.broadcast %add3A_50 : i32 to vector<16xi32>
        %add3A_52 = arith.addi %add3A_45, %add3A_51 : vector<16xi32>
        %shift_right_logical3A_53 = arith.constant 3 : i32
        %shift_right_logical3A_54 = vector.broadcast %shift_right_logical3A_53 : i32 to vector<16xi32>
        %shift_right_logical3A_55 = arith.shrui %add3A_52, %shift_right_logical3A_54 : vector<16xi32>
        %and3A_56 = arith.constant 7 : i32
        %and3A_57 = vector.broadcast %and3A_56 : i32 to vector<16xi32>
        %and3A_58 = arith.andi %add3A_52, %and3A_57 : vector<16xi32>
        tpu.vector_store_idx %arg5[%shift_right_logical3A_55, %and3A_58], %get3A_42 : memref<2048x8xf32, #tpu.memory_space<vmem>>[vector<16xi32>, vector<16xi32>], vector<16xf32>,
        %get3A_59 = arith.constant 0 : i32
        %get3A_60 = arith.index_cast %scan3A_25 : i32 to index
        %get3A_61 = arith.index_cast %get3A_59 : i32 to index
        %get3A_62 = arith.constant 16 : index
        %get3A_63 = tpu.vector_load %arg4[%get3A_60, %get3A_61, %get3A_62] {strides = array<i32>} : memref<64x2x128xf32, #tpu.memory_space<vmem>>, vector<16xf32>,
        %get3A_64 = arith.constant 1 : i32
        %get3A_65 = arith.index_cast %scan3A_25 : i32 to index
        %get3A_66 = arith.index_cast %get3A_64 : i32 to index
        %get3A_67 = arith.constant 16 : index
        %get3A_68 = tpu.vector_load %arg4[%get3A_65, %get3A_66, %get3A_67] {strides = array<i32>} : memref<64x2x128xf32, #tpu.memory_space<vmem>>, vector<16xf32>,
        %add3A_69 = arith.constant 32 : i32
        %add3A_70 = vector.broadcast %add3A_69 : i32 to vector<16xi32>
        %add3A_71 = arith.addi %add3A_33, %add3A_70 : vector<16xi32>
        %shift_right_logical3A_72 = arith.constant 3 : i32
        %shift_right_logical3A_73 = vector.broadcast %shift_right_logical3A_72 : i32 to vector<16xi32>
        %shift_right_logical3A_74 = arith.shrui %add3A_71, %shift_right_logical3A_73 : vector<16xi32>
        %and3A_75 = arith.constant 7 : i32
        %and3A_76 = vector.broadcast %and3A_75 : i32 to vector<16xi32>
        %and3A_77 = arith.andi %add3A_71, %and3A_76 : vector<16xi32>
        tpu.vector_store_idx %arg5[%shift_right_logical3A_74, %and3A_77], %get3A_63 : memref<2048x8xf32, #tpu.memory_space<vmem>>[vector<16xi32>, vector<16xi32>], vector<16xf32>,
        %add3A_78 = arith.constant 1 : i32
        %add3A_79 = vector.broadcast %add3A_78 : i32 to vector<16xi32>
        %add3A_80 = arith.addi %add3A_71, %add3A_79 : vector<16xi32>
        %shift_right_logical3A_81 = arith.constant 3 : i32
        %shift_right_logical3A_82 = vector.broadcast %shift_right_logical3A_81 : i32 to vector<16xi32>
        %shift_right_logical3A_83 = arith.shrui %add3A_80, %shift_right_logical3A_82 : vector<16xi32>
        %and3A_84 = arith.constant 7 : i32
        %and3A_85 = vector.broadcast %and3A_84 : i32 to vector<16xi32>
        %and3A_86 = arith.andi %add3A_80, %and3A_85 : vector<16xi32>
        tpu.vector_store_idx %arg5[%shift_right_logical3A_83, %and3A_86], %get3A_68 : memref<2048x8xf32, #tpu.memory_space<vmem>>[vector<16xi32>, vector<16xi32>], vector<16xf32>,
        %get3A_87 = arith.constant 0 : i32
        %get3A_88 = arith.index_cast %scan3A_25 : i32 to index
        %get3A_89 = arith.index_cast %get3A_87 : i32 to index
        %get3A_90 = arith.constant 32 : index
        %get3A_91 = tpu.vector_load %arg4[%get3A_88, %get3A_89, %get3A_90] {strides = array<i32>} : memref<64x2x128xf32, #tpu.memory_space<vmem>>, vector<16xf32>,
        %get3A_92 = arith.constant 1 : i32
        %get3A_93 = arith.index_cast %scan3A_25 : i32 to index
        %get3A_94 = arith.index_cast %get3A_92 : i32 to index
        %get3A_95 = arith.constant 32 : index
        %get3A_96 = tpu.vector_load %arg4[%get3A_93, %get3A_94, %get3A_95] {strides = array<i32>} : memref<64x2x128xf32, #tpu.memory_space<vmem>>, vector<16xf32>,
        %add3A_97 = arith.constant 64 : i32
        %add3A_98 = vector.broadcast %add3A_97 : i32 to vector<16xi32>
        %add3A_99 = arith.addi %add3A_33, %add3A_98 : vector<16xi32>
        %shift_right_logical3A_100 = arith.constant 3 : i32
        %shift_right_logical3A_101 = vector.broadcast %shift_right_logical3A_100 : i32 to vector<16xi32>
        %shift_right_logical3A_102 = arith.shrui %add3A_99, %shift_right_logical3A_101 : vector<16xi32>
        %and3A_103 = arith.constant 7 : i32
        %and3A_104 = vector.broadcast %and3A_103 : i32 to vector<16xi32>
        %and3A_105 = arith.andi %add3A_99, %and3A_104 : vector<16xi32>
        tpu.vector_store_idx %arg5[%shift_right_logical3A_102, %and3A_105], %get3A_91 : memref<2048x8xf32, #tpu.memory_space<vmem>>[vector<16xi32>, vector<16xi32>], vector<16xf32>,
        %add3A_106 = arith.constant 1 : i32
        %add3A_107 = vector.broadcast %add3A_106 : i32 to vector<16xi32>
        %add3A_108 = arith.addi %add3A_99, %add3A_107 : vector<16xi32>
        %shift_right_logical3A_109 = arith.constant 3 : i32
        %shift_right_logical3A_110 = vector.broadcast %shift_right_logical3A_109 : i32 to vector<16xi32>
        %shift_right_logical3A_111 = arith.shrui %add3A_108, %shift_right_logical3A_110 : vector<16xi32>
        %and3A_112 = arith.constant 7 : i32
        %and3A_113 = vector.broadcast %and3A_112 : i32 to vector<16xi32>
        %and3A_114 = arith.andi %add3A_108, %and3A_113 : vector<16xi32>
        tpu.vector_store_idx %arg5[%shift_right_logical3A_111, %and3A_114], %get3A_96 : memref<2048x8xf32, #tpu.memory_space<vmem>>[vector<16xi32>, vector<16xi32>], vector<16xf32>,
        %get3A_115 = arith.constant 0 : i32
        %get3A_116 = arith.index_cast %scan3A_25 : i32 to index
        %get3A_117 = arith.index_cast %get3A_115 : i32 to index
        %get3A_118 = arith.constant 48 : index
        %get3A_119 = tpu.vector_load %arg4[%get3A_116, %get3A_117, %get3A_118] {strides = array<i32>} : memref<64x2x128xf32, #tpu.memory_space<vmem>>, vector<16xf32>,
        %get3A_120 = arith.constant 1 : i32
        %get3A_121 = arith.index_cast %scan3A_25 : i32 to index
        %get3A_122 = arith.index_cast %get3A_120 : i32 to index
        %get3A_123 = arith.constant 48 : index
        %get3A_124 = tpu.vector_load %arg4[%get3A_121, %get3A_122, %get3A_123] {strides = array<i32>} : memref<64x2x128xf32, #tpu.memory_space<vmem>>, vector<16xf32>,
        %add3A_125 = arith.constant 96 : i32
        %add3A_126 = vector.broadcast %add3A_125 : i32 to vector<16xi32>
        %add3A_127 = arith.addi %add3A_33, %add3A_126 : vector<16xi32>
        %shift_right_logical3A_128 = arith.constant 3 : i32
        %shift_right_logical3A_129 = vector.broadcast %shift_right_logical3A_128 : i32 to vector<16xi32>
        %shift_right_logical3A_130 = arith.shrui %add3A_127, %shift_right_logical3A_129 : vector<16xi32>
        %and3A_131 = arith.constant 7 : i32
        %and3A_132 = vector.broadcast %and3A_131 : i32 to vector<16xi32>
        %and3A_133 = arith.andi %add3A_127, %and3A_132 : vector<16xi32>
        tpu.vector_store_idx %arg5[%shift_right_logical3A_130, %and3A_133], %get3A_119 : memref<2048x8xf32, #tpu.memory_space<vmem>>[vector<16xi32>, vector<16xi32>], vector<16xf32>,
        %add3A_134 = arith.constant 1 : i32
        %add3A_135 = vector.broadcast %add3A_134 : i32 to vector<16xi32>
        %add3A_136 = arith.addi %add3A_127, %add3A_135 : vector<16xi32>
        %shift_right_logical3A_137 = arith.constant 3 : i32
        %shift_right_logical3A_138 = vector.broadcast %shift_right_logical3A_137 : i32 to vector<16xi32>
        %shift_right_logical3A_139 = arith.shrui %add3A_136, %shift_right_logical3A_138 : vector<16xi32>
        %and3A_140 = arith.constant 7 : i32
        %and3A_141 = vector.broadcast %and3A_140 : i32 to vector<16xi32>
        %and3A_142 = arith.andi %add3A_136, %and3A_141 : vector<16xi32>
        tpu.vector_store_idx %arg5[%shift_right_logical3A_139, %and3A_142], %get3A_124 : memref<2048x8xf32, #tpu.memory_space<vmem>>[vector<16xi32>, vector<16xi32>], vector<16xf32>,
        %get3A_143 = arith.constant 0 : i32
        %get3A_144 = arith.index_cast %scan3A_25 : i32 to index
        %get3A_145 = arith.index_cast %get3A_143 : i32 to index
        %get3A_146 = arith.constant 64 : index
        %get3A_147 = tpu.vector_load %arg4[%get3A_144, %get3A_145, %get3A_146] {strides = array<i32>} : memref<64x2x128xf32, #tpu.memory_space<vmem>>, vector<16xf32>,
        %get3A_148 = arith.constant 1 : i32
        %get3A_149 = arith.index_cast %scan3A_25 : i32 to index
        %get3A_150 = arith.index_cast %get3A_148 : i32 to index
        %get3A_151 = arith.constant 64 : index
        %get3A_152 = tpu.vector_load %arg4[%get3A_149, %get3A_150, %get3A_151] {strides = array<i32>} : memref<64x2x128xf32, #tpu.memory_space<vmem>>, vector<16xf32>,
        %add3A_153 = arith.constant 128 : i32
        %add3A_154 = vector.broadcast %add3A_153 : i32 to vector<16xi32>
        %add3A_155 = arith.addi %add3A_33, %add3A_154 : vector<16xi32>
        %shift_right_logical3A_156 = arith.constant 3 : i32
        %shift_right_logical3A_157 = vector.broadcast %shift_right_logical3A_156 : i32 to vector<16xi32>
        %shift_right_logical3A_158 = arith.shrui %add3A_155, %shift_right_logical3A_157 : vector<16xi32>
        %and3A_159 = arith.constant 7 : i32
        %and3A_160 = vector.broadcast %and3A_159 : i32 to vector<16xi32>
        %and3A_161 = arith.andi %add3A_155, %and3A_160 : vector<16xi32>
        tpu.vector_store_idx %arg5[%shift_right_logical3A_158, %and3A_161], %get3A_147 : memref<2048x8xf32, #tpu.memory_space<vmem>>[vector<16xi32>, vector<16xi32>], vector<16xf32>,
        %add3A_162 = arith.constant 1 : i32
        %add3A_163 = vector.broadcast %add3A_162 : i32 to vector<16xi32>
        %add3A_164 = arith.addi %add3A_155, %add3A_163 : vector<16xi32>
        %shift_right_logical3A_165 = arith.constant 3 : i32
        %shift_right_logical3A_166 = vector.broadcast %shift_right_logical3A_165 : i32 to vector<16xi32>
        %shift_right_logical3A_167 = arith.shrui %add3A_164, %shift_right_logical3A_166 : vector<16xi32>
        %and3A_168 = arith.constant 7 : i32
        %and3A_169 = vector.broadcast %and3A_168 : i32 to vector<16xi32>
        %and3A_170 = arith.andi %add3A_164, %and3A_169 : vector<16xi32>
        tpu.vector_store_idx %arg5[%shift_right_logical3A_167, %and3A_170], %get3A_152 : memref<2048x8xf32, #tpu.memory_space<vmem>>[vector<16xi32>, vector<16xi32>], vector<16xf32>,
        %get3A_171 = arith.constant 0 : i32
        %get3A_172 = arith.index_cast %scan3A_25 : i32 to index
        %get3A_173 = arith.index_cast %get3A_171 : i32 to index
        %get3A_174 = arith.constant 80 : index
        %get3A_175 = tpu.vector_load %arg4[%get3A_172, %get3A_173, %get3A_174] {strides = array<i32>} : memref<64x2x128xf32, #tpu.memory_space<vmem>>, vector<16xf32>,
        %get3A_176 = arith.constant 1 : i32
        %get3A_177 = arith.index_cast %scan3A_25 : i32 to index
        %get3A_178 = arith.index_cast %get3A_176 : i32 to index
        %get3A_179 = arith.constant 80 : index
        %get3A_180 = tpu.vector_load %arg4[%get3A_177, %get3A_178, %get3A_179] {strides = array<i32>} : memref<64x2x128xf32, #tpu.memory_space<vmem>>, vector<16xf32>,
        %add3A_181 = arith.constant 160 : i32
        %add3A_182 = vector.broadcast %add3A_181 : i32 to vector<16xi32>
        %add3A_183 = arith.addi %add3A_33, %add3A_182 : vector<16xi32>
        %shift_right_logical3A_184 = arith.constant 3 : i32
        %shift_right_logical3A_185 = vector.broadcast %shift_right_logical3A_184 : i32 to vector<16xi32>
        %shift_right_logical3A_186 = arith.shrui %add3A_183, %shift_right_logical3A_185 : vector<16xi32>
        %and3A_187 = arith.constant 7 : i32
        %and3A_188 = vector.broadcast %and3A_187 : i32 to vector<16xi32>
        %and3A_189 = arith.andi %add3A_183, %and3A_188 : vector<16xi32>
        tpu.vector_store_idx %arg5[%shift_right_logical3A_186, %and3A_189], %get3A_175 : memref<2048x8xf32, #tpu.memory_space<vmem>>[vector<16xi32>, vector<16xi32>], vector<16xf32>,
        %add3A_190 = arith.constant 1 : i32
        %add3A_191 = vector.broadcast %add3A_190 : i32 to vector<16xi32>
        %add3A_192 = arith.addi %add3A_183, %add3A_191 : vector<16xi32>
        %shift_right_logical3A_193 = arith.constant 3 : i32
        %shift_right_logical3A_194 = vector.broadcast %shift_right_logical3A_193 : i32 to vector<16xi32>
        %shift_right_logical3A_195 = arith.shrui %add3A_192, %shift_right_logical3A_194 : vector<16xi32>
        %and3A_196 = arith.constant 7 : i32
        %and3A_197 = vector.broadcast %and3A_196 : i32 to vector<16xi32>
        %and3A_198 = arith.andi %add3A_192, %and3A_197 : vector<16xi32>
        tpu.vector_store_idx %arg5[%shift_right_logical3A_195, %and3A_198], %get3A_180 : memref<2048x8xf32, #tpu.memory_space<vmem>>[vector<16xi32>, vector<16xi32>], vector<16xf32>,
        %get3A_199 = arith.constant 0 : i32
        %get3A_200 = arith.index_cast %scan3A_25 : i32 to index
        %get3A_201 = arith.index_cast %get3A_199 : i32 to index
        %get3A_202 = arith.constant 96 : index
        %get3A_203 = tpu.vector_load %arg4[%get3A_200, %get3A_201, %get3A_202] {strides = array<i32>} : memref<64x2x128xf32, #tpu.memory_space<vmem>>, vector<16xf32>,
        %get3A_204 = arith.constant 1 : i32
        %get3A_205 = arith.index_cast %scan3A_25 : i32 to index
        %get3A_206 = arith.index_cast %get3A_204 : i32 to index
        %get3A_207 = arith.constant 96 : index
        %get3A_208 = tpu.vector_load %arg4[%get3A_205, %get3A_206, %get3A_207] {strides = array<i32>} : memref<64x2x128xf32, #tpu.memory_space<vmem>>, vector<16xf32>,
        %add3A_209 = arith.constant 192 : i32
        %add3A_210 = vector.broadcast %add3A_209 : i32 to vector<16xi32>
        %add3A_211 = arith.addi %add3A_33, %add3A_210 : vector<16xi32>
        %shift_right_logical3A_212 = arith.constant 3 : i32
        %shift_right_logical3A_213 = vector.broadcast %shift_right_logical3A_212 : i32 to vector<16xi32>
        %shift_right_logical3A_214 = arith.shrui %add3A_211, %shift_right_logical3A_213 : vector<16xi32>
        %and3A_215 = arith.constant 7 : i32
        %and3A_216 = vector.broadcast %and3A_215 : i32 to vector<16xi32>
        %and3A_217 = arith.andi %add3A_211, %and3A_216 : vector<16xi32>
        tpu.vector_store_idx %arg5[%shift_right_logical3A_214, %and3A_217], %get3A_203 : memref<2048x8xf32, #tpu.memory_space<vmem>>[vector<16xi32>, vector<16xi32>], vector<16xf32>,
        %add3A_218 = arith.constant 1 : i32
        %add3A_219 = vector.broadcast %add3A_218 : i32 to vector<16xi32>
        %add3A_220 = arith.addi %add3A_211, %add3A_219 : vector<16xi32>
        %shift_right_logical3A_221 = arith.constant 3 : i32
        %shift_right_logical3A_222 = vector.broadcast %shift_right_logical3A_221 : i32 to vector<16xi32>
        %shift_right_logical3A_223 = arith.shrui %add3A_220, %shift_right_logical3A_222 : vector<16xi32>
        %and3A_224 = arith.constant 7 : i32
        %and3A_225 = vector.broadcast %and3A_224 : i32 to vector<16xi32>
        %and3A_226 = arith.andi %add3A_220, %and3A_225 : vector<16xi32>
        tpu.vector_store_idx %arg5[%shift_right_logical3A_223, %and3A_226], %get3A_208 : memref<2048x8xf32, #tpu.memory_space<vmem>>[vector<16xi32>, vector<16xi32>], vector<16xf32>,
        %get3A_227 = arith.constant 0 : i32
        %get3A_228 = arith.index_cast %scan3A_25 : i32 to index
        %get3A_229 = arith.index_cast %get3A_227 : i32 to index
        %get3A_230 = arith.constant 112 : index
        %get3A_231 = tpu.vector_load %arg4[%get3A_228, %get3A_229, %get3A_230] {strides = array<i32>} : memref<64x2x128xf32, #tpu.memory_space<vmem>>, vector<16xf32>,
        %get3A_232 = arith.constant 1 : i32
        %get3A_233 = arith.index_cast %scan3A_25 : i32 to index
        %get3A_234 = arith.index_cast %get3A_232 : i32 to index
        %get3A_235 = arith.constant 112 : index
        %get3A_236 = tpu.vector_load %arg4[%get3A_233, %get3A_234, %get3A_235] {strides = array<i32>} : memref<64x2x128xf32, #tpu.memory_space<vmem>>, vector<16xf32>,
        %add3A_237 = arith.constant 224 : i32
        %add3A_238 = vector.broadcast %add3A_237 : i32 to vector<16xi32>
        %add3A_239 = arith.addi %add3A_33, %add3A_238 : vector<16xi32>
        %shift_right_logical3A_240 = arith.constant 3 : i32
        %shift_right_logical3A_241 = vector.broadcast %shift_right_logical3A_240 : i32 to vector<16xi32>
        %shift_right_logical3A_242 = arith.shrui %add3A_239, %shift_right_logical3A_241 : vector<16xi32>
        %and3A_243 = arith.constant 7 : i32
        %and3A_244 = vector.broadcast %and3A_243 : i32 to vector<16xi32>
        %and3A_245 = arith.andi %add3A_239, %and3A_244 : vector<16xi32>
        tpu.vector_store_idx %arg5[%shift_right_logical3A_242, %and3A_245], %get3A_231 : memref<2048x8xf32, #tpu.memory_space<vmem>>[vector<16xi32>, vector<16xi32>], vector<16xf32>,
        %add3A_246 = arith.constant 1 : i32
        %add3A_247 = vector.broadcast %add3A_246 : i32 to vector<16xi32>
        %add3A_248 = arith.addi %add3A_239, %add3A_247 : vector<16xi32>
        %shift_right_logical3A_249 = arith.constant 3 : i32
        %shift_right_logical3A_250 = vector.broadcast %shift_right_logical3A_249 : i32 to vector<16xi32>
        %shift_right_logical3A_251 = arith.shrui %add3A_248, %shift_right_logical3A_250 : vector<16xi32>
        %and3A_252 = arith.constant 7 : i32
        %and3A_253 = vector.broadcast %and3A_252 : i32 to vector<16xi32>
        %and3A_254 = arith.andi %add3A_248, %and3A_253 : vector<16xi32>
        tpu.vector_store_idx %arg5[%shift_right_logical3A_251, %and3A_254], %get3A_236 : memref<2048x8xf32, #tpu.memory_space<vmem>>[vector<16xi32>, vector<16xi32>], vector<16xf32>,
        %scan3A_255 = arith.constant 0 : i32
        scf.yield %scan3A_255 : i32
      }
      %scan3A_21 = arith.constant 64 : i32
      %mul3A_22 = arith.constant 32 : i32
      %mul3A_23 = arith.muli %add3A_14, %mul3A_22 : i32
      "tpu.region"() ({
        %run_scoped3A = tpu.sem_alloc : memref<!tpu.dma_semaphore, #tpu.memory_space<semaphore_mem>>
        %dma_start3A = arith.constant 0 : i32
        %dma_start3A_25 = tpu.memref_slice %arg3[%mul3A_23, %dma_start3A] : memref<1524736x8xf32, #tpu.memory_space<hbm>> -> memref<2048x8xf32, #tpu.memory_space<hbm>>
        %dma_start3A_26 = arith.constant 0 : i32
        %dma_start3A_27 = tpu.memref_slice %arg3[%mul3A_23, %dma_start3A_26] : memref<1524736x8xf32, #tpu.memory_space<hbm>> -> memref<2048x8xf32, #tpu.memory_space<hbm>>
        tpu.enqueue_dma source(%arg5 : memref<2048x8xf32, #tpu.memory_space<vmem>>) target(%dma_start3A_27 : memref<2048x8xf32, #tpu.memory_space<hbm>>) target_semaphore(%run_scoped3A : memref<!tpu.dma_semaphore, #tpu.memory_space<semaphore_mem>>)
        %dma_wait3A = arith.constant 0 : i32
        %dma_wait3A_28 = tpu.memref_slice %arg3[%mul3A_23, %dma_wait3A] : memref<1524736x8xf32, #tpu.memory_space<hbm>> -> memref<2048x8xf32, #tpu.memory_space<hbm>>
        %dma_wait3A_29 = arith.constant 0 : i32
        %dma_wait3A_30 = tpu.memref_slice %arg3[%mul3A_23, %dma_wait3A_29] : memref<1524736x8xf32, #tpu.memory_space<hbm>> -> memref<2048x8xf32, #tpu.memory_space<hbm>>
        tpu.wait_dma2 semaphore(%run_scoped3A : memref<!tpu.dma_semaphore, #tpu.memory_space<semaphore_mem>>) src(%arg5 : memref<2048x8xf32, #tpu.memory_space<vmem>>) dst(%dma_wait3A_30 : memref<2048x8xf32, #tpu.memory_space<hbm>>)
        tpu.yield
      }) : () -> ()
      %scan3A_24 = arith.constant 0 : i32
      scf.yield %scan3A_24 : i32
    }
    %scan3A_8 = arith.constant 24 : i32
    return
  }
}

</mosaic_0001>

<sc_bundles>
// kernel: _sc_repack.3.cloned.1.call-start
scs
__scs_entry_jumppad:
0x0: {  	(pc) =	sbr.rel $0x88, $3  }
0x1: {  	(tag) =	ssettag $0x0;
	lr =	simm.s32 $0x1  }
0x2: {  	[smem:$0x3FA0] =	sst lr;
	_ =	strace $0xD0000000  }
0x3: {  	_ = 	snop  }
0x4: {  	_ = 	snop  }
0x5: {  	_ = 	snop  }
0x6: {  	_ = 	snop  }
0x7: {  	_ = 	snop  }
__scs_overlays_trampoline_lowered:
0x8: {  	[smem:$0x3FAF] =	sst s0  }
0x9: {  	[smem:$0x3FB0] =	sst s1  }
0xa: {  	[smem:$0x3FB1] =	sst s2  }
0xb: {  	[smem:$0x3FB2] =	sst s3  }
0xc: {  	[smem:$0x3FB3] =	sst s4  }
0xd: {  	[smem:$0x3FB4] =	sst s5  }
0xe: {  	[smem:$0x3FB5] =	sst s6  }
0xf: {  	[smem:$0x3FB6] =	sst s7  }
0x10: {  	[smem:$0x3FB7] =	sst s8  }
0x11: {  	[smem:$0x3FB8] =	sst s9;
	s0 =	simm.s32 @!p0 $0x0  }
0x12: {  	s1 =	sld [smem:$0x3F9E];
	s0 =	simm.s32 @p0 $0x1  }
0x13: {  	[smem:$0x3FB9] =	sst s0;
	s0 =	simm.s32 @!p1 $0x0  }
0x14: {  	s2 =	sld [smem:$0x3F9D];
	s0 =	simm.s32 @p1 $0x1  }
0x15: {  	[smem:$0x3FBA] =	sst s0;
	s0 =	simm.s32 @!p2 $0x0  }
0x16: {  	s3 =	sld [smem:$0x3FDB];
	s0 =	simm.s32 @p2 $0x1  }
0x17: {  	s4 =	simm.s32 $0x1BF5;
	[smem:$0x3FBC] =	sst s0  }
0x18: {  	s0 =	sld [smem:$0x3F9F];
	_ =	swait.ge [sflag:s4], $0x0  }
0x19: {  	s7 =	sld [smem:$0x3FA0]  }
0x1a: {  	s8 =	sadd.s32 $0xFFFFE003, lr  }
0x1b: {  	s9 =	sadd.s32 $0xFFFFFEF7, lr;
	s5 =	simm.s32 $0xFFFFFFFF;
	p2 =	slt.u32 s8, $0xFFFFF086  }
0x1c: {  	p1 =	slt.u32 s9, $0xF7A;
	s5 =	simm.s32 @!p2 $0x0  }
0x1d: {  	s5 =	simm.s32 @p1 $0x1;
	p0 =	seq.s32 s7, s2  }
0x1e: {  	s7 =	smul.u32 @!p0 $0xF7A, s2;
	p2 =	seq.s32 @!p0 s5, $0x0  }
0x1f: {  	s9 =	smul.u32 $0xF7A, s1;
	s8 =	simm.s32 @!p0 $0x1BF5;
	p2 =	por !p2, p0  }
0x20: {  	[sflag:s8] =	ssyncset.s32 @!p0 $0xFFFFF086;
	s6 =	sadd.s32 @!p0 s3, s7;
	s7 =	simm.s32 @!p0 $0x108  }
0x21: {  	s3 =	sadd.s32 s3, s9;
	s6 =	sadd.s32 @!p0 $0x88, s6;
	s7 =	simm.s32 @p2 $0x1082  }
0x22: {  	[simem:s7], [sflag:s8] =	dma.local @!p0 [hbm:s6], $0xF7A  }
0x23: {  	s9 =	sor.u32 $0xD0000000, s2;
	s6 =	simm.s32 $0x108;
	_ =	swait.ge @!p0 [sflag:s8], $0x0  }
0x24: {  	s3 =	sadd.s32 $0x88, s3;
	s6 =	simm.s32 @!p1 $0x1082;
	[sflag:s4] =	ssyncset.s32 $0xFFFFF086  }
0x25: {  	[simem:s6], [sflag:s4] =	dma.local [hbm:s3], $0xF7A  }
0x26: {  	[smem:$0x3FA0] =	sst s1;
	(tag) =	ssettag s2;
	_ =	strace s9  }
0x27: {  	s1 =	sld [smem:$0x3FB0]  }
0x28: {  	s2 =	sld [smem:$0x3FB1]  }
0x29: {  	s4 =	sld [smem:$0x3FB3]  }
0x2a: {  	p0 =	seq.s32 s5, $0x0;
	s5 =	sld [smem:$0x3FB4]  }
0x2b: {  	s6 =	sld [smem:$0x3FB5]  }
0x2c: {  	s7 =	sld [smem:$0x3FB6]  }
0x2d: {  	s3 =	simm.s32 $0x108;
	s8 =	sld [smem:$0x3FB7]  }
0x2e: {  	s3 =	simm.s32 @!p0 $0x1082;
	s9 =	sld [smem:$0x3FB8]  }
0x2f: {  	lr =	sadd.s32 s0, s3;
	s0 =	sld [smem:$0x3FAF]  }
0x30: {  	s3 =	sld [smem:$0x3FB2]  }
0x31: {  	[smem:$0x3FBB] =	sst s10  }
0x32: {  	s10 =	sld [smem:$0x3FB9];
	_ =	sdelay $0x3  }
0x33: {  	p0 =	seq.s32 s10, $0x1;
	s10 =	sld [smem:$0x3FBB];
	_ =	sdelay $0x3  }
0x34: {  	[smem:$0x3FBB] =	sst s10  }
0x35: {  	s10 =	sld [smem:$0x3FBA];
	_ =	sdelay $0x3  }
0x36: {  	p1 =	seq.s32 s10, $0x1;
	s10 =	sld [smem:$0x3FBB];
	_ =	sdelay $0x3  }
0x37: {  	[smem:$0x3FBB] =	sst s10  }
0x38: {  	s10 =	sld [smem:$0x3FBC]  }
0x39: {  	_ = 	snop;
	(pc) =	sbr.ind lr, $3  }
0x3a: {  	_ = 	snop  }
0x3b: {  	_ = 	snop  }
0x3c: {  	p2 =	seq.s32 s10, $0x1;
	s10 =	sld [smem:$0x3FBB]  }
0x3d: {  	_ =	shalt  }
0x3e: {  	_ =	shalt  }
0x3f: {  	_ =	shalt  }
0x40: {  	_ =	shalt  }
0x41: {  	_ =	shalt  }
0x42: {  	_ =	shalt  }
0x43: {  	_ =	shalt  }
0x44: {  	_ =	shalt  }
0x45: {  	_ =	shalt  }
0x46: {  	_ =	shalt  }
0x47: {  	_ =	shalt  }
0x48: {  	_ =	shalt  }
0x49: {  	_ =	shalt  }
0x4a: {  	_ =	shalt  }
0x4b: {  	_ =	shalt  }
0x4c: {  	_ =	shalt  }
0x4d: {  	_ =	shalt  }
0x4e: {  	_ =	shalt  }
0x4f: {  	_ =	shalt  }
0x50: {  	_ =	shalt  }
0x51: {  	_ =	shalt  }
0x52: {  	_ =	shalt  }
0x53: {  	_ =	shalt  }
0x54: {  	_ =	shalt  }
0x55: {  	_ =	shalt  }
0x56: {  	_ =	shalt  }
0x57: {  	_ =	shalt  }
0x58: {  	_ =	shalt  }
0x59: {  	_ =	shalt  }
0x5a: {  	_ =	shalt  }
0x5b: {  	_ =	shalt  }
0x5c: {  	_ =	shalt  }
0x5d: {  	_ =	shalt  }
0x5e: {  	_ =	shalt  }
0x5f: {  	_ =	shalt  }
0x60: {  	_ =	shalt  }
0x61: {  	_ =	shalt  }
0x62: {  	_ =	shalt  }
0x63: {  	_ =	shalt  }
0x64: {  	_ =	shalt  }
0x65: {  	_ =	shalt  }
0x66: {  	_ =	shalt  }
0x67: {  	_ =	shalt  }
0x68: {  	_ =	shalt  }
0x69: {  	_ =	shalt  }
0x6a: {  	_ =	shalt  }
0x6b: {  	_ =	shalt  }
0x6c: {  	_ =	shalt  }
0x6d: {  	_ =	shalt  }
0x6e: {  	_ =	shalt  }
0x6f: {  	_ =	shalt  }
0x70: {  	_ =	shalt  }
0x71: {  	_ =	shalt  }
0x72: {  	_ =	shalt  }
0x73: {  	_ =	shalt  }
0x74: {  	_ =	shalt  }
0x75: {  	_ =	shalt  }
0x76: {  	_ =	shalt  }
0x77: {  	_ =	shalt  }
0x78: {  	_ =	shalt  }
0x79: {  	_ =	shalt  }
0x7a: {  	_ =	shalt  }
0x7b: {  	_ =	shalt  }
0x7c: {  	_ =	shalt  }
0x7d: {  	_ =	shalt  }
0x7e: {  	_ =	shalt  }
0x7f: {  	_ =	shalt  }
0x80: {  	_ =	shalt  }
0x81: {  	_ =	shalt  }
0x82: {  	_ =	shalt  }
0x83: {  	_ =	shalt  }
0x84: {  	_ =	shalt  }
0x85: {  	_ =	shalt  }
0x86: {  	_ =	shalt  }
0x87: {  	_ =	shalt  }
.Lfunc_end0:
.L_simem_size_0:
called_computation.1_lowered:
.L_overlay_start_0:
0x88: {  	s2 =	sld [smem:$0x3FD9]  }
0x89: {  	s3 =	sld [smem:$0x3FFE];
	_ =	sdelay $0x1  }
0x8a: {  	s1 =	srdreg.scid  }
0x8b: {  	s0 =	sand.u32 $0x1, s1  }
0x8c: {  	s18 =	sshll.u32 s0, $0xA;
	s2 =	sadd.s32 s3, s2  }
0x8d: {  	s2 =	sadd.s32 s2, s18  }
0x8e: {  	[smem:$0x3FC7] =	sst s2  }
0x8f: {  	_ = 	snop  }
0x90: {  	s2 =	sld [smem:$0x3FC9]  }
0x91: {  	s19 =	sld [smem:$0x3FD0];
	(tm) =	ssettm $0x1  }
0x92: {  	s4 =	sld [smem:$0x3FFB];
	_ =	sdelay $0x3  }
0x93: {  	_ =	strace s4  }
0x94: {  	s4 =	sld [smem:$0x3FFC];
	_ =	sdelay $0x3  }
0x95: {  	_ =	strace s4  }
0x96: {  	s4 =	sld [smem:$0x3FFD];
	_ =	sdelay $0x3  }
0x97: {  	_ =	strace s4  }
0x98: {  	_ =	strace $0x8FFFFFFF  }
0x99: {  	s20 =	sld [smem:$0x3FDB];
	_ =	sdelay $0x1  }
0x9a: {  	s5 =	simm.s32 $_scs_section_size  }
0x9b: {  	s6 =	simm.s32 $_size__tile_overlayer_lowered;
	s7 =	simm.s32 $_tile_overlayer_lowered  }
0x9c: {  	s23 =	simm.s32 $0x1BFF;
	s22 =	sshll.u32 s7, $0x1;
	s4 =	sadd.s32 s5, s20  }
0x9d: {  	s8 =	simm.s32 $0x0;
	s21 =	sshll.u32 s6, $0x1;
	s6 =	sadd.s32 s22, s4  }
0x9e: {  	[timem:s8], [sflag:s23] =	dma.local [hbm:s6], s21  }
0x9f: {  	_ =	swait.ge [sflag:s23], s21  }
0xa0: {  	s5 =	ssub.s32 $0x0, s21;
	[sflag:s23] =	ssyncset.done $0x0  }
0xa1: {  	[sflag:s23] =	ssyncadd.s32 s5;
	_ =	sdelay $0x1  }
0xa2: {  	s24 =	simm.s32 $0x1B8B  }
0xa3: {  	_ =	swait.ge [sflag:s24], $0x1  }
0xa4: {  	[sflag:s24] =	ssyncset.done $0x0  }
0xa5: {  	s25 =	simm.s32 $0x1B8E;
	[sflag:s24] =	ssyncadd.s32 $0xFFFFFFFF  }
0xa6: {  	s26 =	simm.s32 $execute0_lowered;
	[smem:$0x3FD2] =	sst s25  }
0xa7: {  	s5 =	sshll.u32 s26, $0x1;
	_ =	strace $0x80000046;
	[dreg:$0x1] =	wrdreg $0xFFFFFFFF  }
0xa8: {  	s28 =	simm.s32 $_size_execute0_lowered;
	s4 =	sadd.s32 s4, s5;
	[dreg:$0x0] =	wrdreg $0x0  }
0xa9: {  	s5 =	sshll.u32 s28, $0x1;
	[dreg:$0x2] =	wrdreg s4  }
0xaa: {  	[dreg:$0x3] =	wrdreg s5  }
0xab: {  	[dreg:$0x4] =	wrdreg $0xC0  }
0xac: {  	_ =	task [dreg:s8], $0x5FFFF  }
0xad: {  	[dreg:$0x1] =	wrdreg $0xFFFFFFFF  }
0xae: {  	[dreg:$0x0] =	wrdreg $0x60  }
0xaf: {  	[dreg:$0x2] =	wrdreg s2  }
0xb0: {  	[dreg:$0x3] =	wrdreg s19  }
0xb1: {  	[dreg:$0x4] =	wrdreg $0x9  }
0xb2: {  	_ =	task.clear_ibuf [dreg:s8], $0x5FFFF;
	_ =	strace $0x90000046  }
0xb3: {  	s29 =	simm.s32 $0x9;
	_ =	strace $0x80000048  }
0xb4: {  	_ =	swait.ge [sflag:s29], $0x1  }
0xb5: {  	[sflag:s29] =	ssyncadd.s32 $0xFFFFFFFF  }
0xb6: {  	_ =	strace $0x90000048  }
0xb7: {  	_ =	sfence  }
0xb8: {  	s30 =	sld [smem:$0x0];
	_ =	sdelay $0x2  }
0xb9: {  	s31 =	sshll.u32 s1, $0xD;
	s1 =	sshrl.u32 s1, $0x2  }
0xba: {  	s3 =	sand.u32 $0x4000, s31;
	s1 =	sadd.s32 s1, s30  }
0xbb: {  	s0 =	sor.u32 s3, s0;
	s1 =	sshll.u32 s1, $0x11  }
0xbc: {  	s0 =	sor.u32 s1, s0  }
0xbd: {  	s0 =	sadd.s32 $0x8F2B, s0  }
0xbe: {  	[sflag:s0] =	ssyncadd.remote.s32 $0x1  }
0xbf: {  	_ =	sfence.sel $0xFFFF  }
0xc0: {  	[dreg:$0x0] =	wrdreg $0xFFFFFFFF;
	(pc) =	sbr.abs _section_cstart, $3  }
0xc1: {  	[dreg:$0x1] =	wrdreg $0xFFFFFFFF  }
0xc2: {  	_ =	task.clear_ibuf [dreg:s8], $0x2FFFF;
	_ =	strace $0x9FFFFFFF  }
0xc3: {  	(tm) =	ssettm $0x7FFFFFFF  }
tec
execute0_lowered:
.L_overlay_start_1:
0x0: {  	(tag) =	ssettag $0x1  }
0x1: {  	v0 =	vlaneseq.u32  }
0x2: {  	v1 =	vand.u32 $0x3, v0;
	v0 =	vmul.u32 $0x2, v0;
	_ =	sdelay $0x1  }
0x3: {  	v22 =	vmul.u32 $0x2, v1;
	v2 =	vor.u32 $0x1, v0;
	v3 =	vor.u32 $0x20, v0  }
0x4: {  	s0 =	rddreg [dreg:$0x0];
	s1 =	srdreg.scid;
	v5 =	vor.u32 $0x21, v0;
	v6 =	vor.u32 $0x40, v0;
	v8 =	vor.u32 $0x41, v0  }
0x5: {  	s2 =	rddreg [dreg:$0x1];
	s3 =	stileid.u32;
	v9 =	vor.u32 $0x60, v0;
	v11 =	vor.u32 $0x61, v0;
	v12 =	vor.u32 $0x80, v0  }
0x6: {  	s4 =	simm.s32 $0x0;
	s9 =	simm.s32 $0x0;
	s5 =	sand.u32 $0x1, s1;
	v14 =	vor.u32 $0x81, v0;
	v15 =	vor.u32 $0xA0, v0;
	v17 =	vor.u32 $0xA1, v0  }
0x7: {  	s1 =	rddreg [dreg:$0x2];
	s8 =	sshll.u32 s3, $0x1;
	s6 =	ssub.s32 $0x2, s5;
	v18 =	vor.u32 $0xC0, v0;
	v20 =	vor.u32 $0xC1, v0;
	v21 =	vor.u32 $0xE0, v0  }
0x8: {  	[smem:$0x7FF] =	sst s4;
	s5 =	sor.u32 s5, s8;
	s7 =	sshrl.u32 s6, $0x1;
	v23 =	vor.u32 $0xE1, v0;
	v1 =	vor.u32 $0xFFFFFF18, v22;
	v4 =	vor.u32 $0xFFFFFF38, v22  }
0x9: {  	_ =	strace $0x80000047;
	s8 =	simm.s32 $0x4000;
	v7 =	vor.u32 $0xFFFFFF58, v22;
	v10 =	vor.u32 $0xFFFFFF78, v22;
	v13 =	vor.u32 $0xFFFFFF98, v22;
	s6 =	ssub.s32 s6, s7  }
0xa: {  	s5 =	smul.u32 $0x5D1, s5;
	v16 =	vor.u32 $0xFFFFFFB8, v22;
	v19 =	vor.u32 $0xFFFFFFD8, v22;
	s7 =	simm.s32 $0x1;
	v22 =	vor.u32 $0xFFFFFFF8, v22;
	s6 =	smax.u32 s6, $0x1  }
.LBB2_1:
0xb: {  	s10 =	simm.s32 $0x0  }
.LBB2_2:
0xc: {  	s11 =	sshll.u32 s10, $0x6  }
0xd: {  	s11 =	smin.u32 s11, $0x591  }
0xe: {  	s11 =	sadd.s32 s5, s11  }
0xf: {  	s11 =	sshll.u32 s11, $0x5  }
0x10: {  	s15 =	simm.s32 $0x0;
	s12 =	sadd.s32 s0, s11  }
0x11: {  	[tilespmem:s15], [sflag:$0x1] =	stream.linear.gather [hbm4b:s12+s15], $0x4000, $0x38;
	[tilespmem:$0x8000] =	vst v63  }
0x12: {  	_ =	swait.ge [sflag:s7], $0x4000  }
0x13: {  	[sflag:s7] =	ssyncset.done $0x0  }
0x14: {  	v24 =	vor.u32 s15, v0;
	s12 =	simm.s32 $0x80;
	[sflag:s7] =	ssyncadd.s32 $0xFFFFC000  }
0x15: {  	v24 =	vand.u32 v1, v24;
	v25 =	vld [tilespmem:s12+$0xFFFFFF80]  }
0x16: {  	v27 =	vor.u32 s15, v2;
	v26 =	vld [tilespmem:s12+$0x0];
	_ =	sdelay $0x3  }
0x17: {  	[tilespmem:v24+s8+$0x0] =	vst.idx.msk $0xffff, v25  }
0x18: {  	v24 =	vor.u32 s15, v3;
	[tilespmem:v27+s8+$0x0] =	vst.idx.msk $0xffff, v26  }
0x19: {  	v24 =	vand.u32 v4, v24;
	v25 =	vld [tilespmem:s12+$0xFFFFFF90]  }
0x1a: {  	v27 =	vor.u32 s15, v5;
	v26 =	vld [tilespmem:s12+$0x10];
	_ =	sdelay $0x3  }
0x1b: {  	[tilespmem:v24+s8+$0x0] =	vst.idx.msk $0xffff, v25  }
0x1c: {  	v24 =	vor.u32 s15, v6;
	[tilespmem:v27+s8+$0x0] =	vst.idx.msk $0xffff, v26  }
0x1d: {  	v24 =	vand.u32 v7, v24;
	v25 =	vld [tilespmem:s12+$0xFFFFFFA0]  }
0x1e: {  	v27 =	vor.u32 s15, v8;
	v26 =	vld [tilespmem:s12+$0x20];
	_ =	sdelay $0x3  }
0x1f: {  	[tilespmem:v24+s8+$0x0] =	vst.idx.msk $0xffff, v25  }
0x20: {  	v24 =	vor.u32 s15, v9;
	[tilespmem:v27+s8+$0x0] =	vst.idx.msk $0xffff, v26  }
0x21: {  	v24 =	vand.u32 v10, v24;
	v25 =	vld [tilespmem:s12+$0xFFFFFFB0]  }
0x22: {  	v27 =	vor.u32 s15, v11;
	v26 =	vld [tilespmem:s12+$0x30];
	_ =	sdelay $0x3  }
0x23: {  	[tilespmem:v24+s8+$0x0] =	vst.idx.msk $0xffff, v25  }
0x24: {  	v24 =	vor.u32 s15, v12;
	[tilespmem:v27+s8+$0x0] =	vst.idx.msk $0xffff, v26  }
0x25: {  	v24 =	vand.u32 v13, v24;
	v25 =	vld [tilespmem:s12+$0xFFFFFFC0]  }
0x26: {  	v27 =	vor.u32 s15, v14;
	v26 =	vld [tilespmem:s12+$0x40];
	_ =	sdelay $0x3  }
0x27: {  	[tilespmem:v24+s8+$0x0] =	vst.idx.msk $0xffff, v25  }
0x28: {  	v24 =	vor.u32 s15, v15;
	[tilespmem:v27+s8+$0x0] =	vst.idx.msk $0xffff, v26  }
0x29: {  	v24 =	vand.u32 v16, v24;
	v25 =	vld [tilespmem:s12+$0xFFFFFFD0]  }
0x2a: {  	v27 =	vor.u32 s15, v17;
	v26 =	vld [tilespmem:s12+$0x50];
	_ =	sdelay $0x3  }
0x2b: {  	[tilespmem:v24+s8+$0x0] =	vst.idx.msk $0xffff, v25  }
0x2c: {  	v24 =	vor.u32 s15, v18;
	[tilespmem:v27+s8+$0x0] =	vst.idx.msk $0xffff, v26  }
0x2d: {  	v24 =	vand.u32 v19, v24;
	v25 =	vld [tilespmem:s12+$0xFFFFFFE0]  }
0x2e: {  	v27 =	vor.u32 s15, v20;
	v26 =	vld [tilespmem:s12+$0x60];
	_ =	sdelay $0x3  }
0x2f: {  	[tilespmem:v24+s8+$0x0] =	vst.idx.msk $0xffff, v25  }
0x30: {  	v24 =	vor.u32 s15, v21;
	[tilespmem:v27+s8+$0x0] =	vst.idx.msk $0xffff, v26  }
0x31: {  	v27 =	vand.u32 v22, v24;
	v26 =	vld [tilespmem:s12+$0xFFFFFFF0];
	_ =	sdelay $0x1  }
0x32: {  	v25 =	vor.u32 s15, v23;
	v24 =	vld [tilespmem:s12+$0x70];
	_ =	sdelay $0x2  }
0x33: {  	s13 =	simm.s32 $0x100;
	s14 =	simm.s32 $0x200;
	[tilespmem:v27+s8+$0x0] =	vst.idx.msk $0xffff, v26  }
.LBB2_3:
0x34: {  	p0 =	sne.s32 s14, $0x3F00  }
0x35: {  	v26 =	vor.u32 s13, v0;
	[tilespmem:v25+s8+$0x0] =	vst.idx.msk $0xffff, v24;
	s12 =	sadd.s32 $0x100, s12;
	s15 =	smov.u32 s14;
	s14 =	sadd.s32 $0x100, s14  }
0x36: {  	v24 =	vld [tilespmem:s12+$0xFFFFFF80];
	v25 =	vand.u32 v1, v26  }
0x37: {  	v27 =	vor.u32 s13, v2;
	v26 =	vld [tilespmem:s12+$0x0];
	_ =	sdelay $0x3  }
0x38: {  	[tilespmem:v25+s8+$0x0] =	vst.idx.msk $0xffff, v24  }
0x39: {  	v24 =	vor.u32 s13, v3;
	[tilespmem:v27+s8+$0x0] =	vst.idx.msk $0xffff, v26  }
0x3a: {  	v24 =	vand.u32 v4, v24;
	v25 =	vld [tilespmem:s12+$0xFFFFFF90]  }
0x3b: {  	v27 =	vor.u32 s13, v5;
	v26 =	vld [tilespmem:s12+$0x10];
	_ =	sdelay $0x3  }
0x3c: {  	[tilespmem:v24+s8+$0x0] =	vst.idx.msk $0xffff, v25  }
0x3d: {  	v24 =	vor.u32 s13, v6;
	[tilespmem:v27+s8+$0x0] =	vst.idx.msk $0xffff, v26  }
0x3e: {  	v24 =	vand.u32 v7, v24;
	v25 =	vld [tilespmem:s12+$0xFFFFFFA0]  }
0x3f: {  	v27 =	vor.u32 s13, v8;
	v26 =	vld [tilespmem:s12+$0x20];
	_ =	sdelay $0x3  }
0x40: {  	[tilespmem:v24+s8+$0x0] =	vst.idx.msk $0xffff, v25  }
0x41: {  	v24 =	vor.u32 s13, v9;
	[tilespmem:v27+s8+$0x0] =	vst.idx.msk $0xffff, v26  }
0x42: {  	v24 =	vand.u32 v10, v24;
	v25 =	vld [tilespmem:s12+$0xFFFFFFB0]  }
0x43: {  	v27 =	vor.u32 s13, v11;
	v26 =	vld [tilespmem:s12+$0x30];
	_ =	sdelay $0x3  }
0x44: {  	[tilespmem:v24+s8+$0x0] =	vst.idx.msk $0xffff, v25  }
0x45: {  	v24 =	vor.u32 s13, v12;
	[tilespmem:v27+s8+$0x0] =	vst.idx.msk $0xffff, v26  }
0x46: {  	v24 =	vand.u32 v13, v24;
	v25 =	vld [tilespmem:s12+$0xFFFFFFC0]  }
0x47: {  	v27 =	vor.u32 s13, v14;
	v26 =	vld [tilespmem:s12+$0x40];
	_ =	sdelay $0x3  }
0x48: {  	[tilespmem:v24+s8+$0x0] =	vst.idx.msk $0xffff, v25  }
0x49: {  	v24 =	vor.u32 s13, v15;
	[tilespmem:v27+s8+$0x0] =	vst.idx.msk $0xffff, v26  }
0x4a: {  	v24 =	vand.u32 v16, v24;
	v25 =	vld [tilespmem:s12+$0xFFFFFFD0]  }
0x4b: {  	v27 =	vor.u32 s13, v17;
	v26 =	vld [tilespmem:s12+$0x50];
	_ =	sdelay $0x3  }
0x4c: {  	[tilespmem:v24+s8+$0x0] =	vst.idx.msk $0xffff, v25  }
0x4d: {  	v24 =	vor.u32 s13, v18;
	[tilespmem:v27+s8+$0x0] =	vst.idx.msk $0xffff, v26  }
0x4e: {  	v24 =	vand.u32 v19, v24;
	v25 =	vld [tilespmem:s12+$0xFFFFFFE0]  }
0x4f: {  	v27 =	vor.u32 s13, v20;
	v26 =	vld [tilespmem:s12+$0x60];
	_ =	sdelay $0x3  }
0x50: {  	[tilespmem:v24+s8+$0x0] =	vst.idx.msk $0xffff, v25  }
0x51: {  	v24 =	vor.u32 s13, v21;
	[tilespmem:v27+s8+$0x0] =	vst.idx.msk $0xffff, v26  }
0x52: {  	v27 =	vand.u32 v22, v24;
	v26 =	vld [tilespmem:s12+$0xFFFFFFF0]  }
.Ltmp0:
0x53: {  	v25 =	vor.u32 s13, v23;
	s13 =	smov.u32 s15;
	v24 =	vld [tilespmem:s12+$0x70];
	(pc) =	sbr.rel @p0 .LBB2_3-.Ltmp0, $2  }
0x54: {  	_ =	sdelay $0x2  }
0x55: {  	[tilespmem:v27+s8+$0x0] =	vst.idx.msk $0xffff, v26  }
0x56: {  	_ =	sdelay $0x3  }
0x57: {  	v26 =	vor.u32 s13, v0;
	[tilespmem:v25+s8+$0x0] =	vst.idx.msk $0xffff, v24;
	s12 =	sadd.s32 $0x100, s12  }
0x58: {  	v24 =	vld [tilespmem:s12+$0xFFFFFF80];
	v48 =	vand.u32 v1, v26  }
0x59: {  	v27 =	vor.u32 s13, v2;
	v49 =	vld [tilespmem:s12+$0x0];
	_ =	sdelay $0x3  }
0x5a: {  	[tilespmem:v48+s8+$0x0] =	vst.idx.msk $0xffff, v24  }
0x5b: {  	v50 =	vor.u32 s13, v3;
	[tilespmem:v27+s8+$0x0] =	vst.idx.msk $0xffff, v49  }
0x5c: {  	v24 =	vand.u32 v4, v50;
	v25 =	vld [tilespmem:s12+$0xFFFFFF90]  }
0x5d: {  	v51 =	vor.u32 s13, v5;
	v26 =	vld [tilespmem:s12+$0x10];
	_ =	sdelay $0x3  }
0x5e: {  	[tilespmem:v24+s8+$0x0] =	vst.idx.msk $0xffff, v25  }
0x5f: {  	v52 =	vor.u32 s13, v6;
	[tilespmem:v51+s8+$0x0] =	vst.idx.msk $0xffff, v26  }
0x60: {  	v24 =	vand.u32 v7, v52;
	v25 =	vld [tilespmem:s12+$0xFFFFFFA0]  }
0x61: {  	v53 =	vor.u32 s13, v8;
	v26 =	vld [tilespmem:s12+$0x20];
	_ =	sdelay $0x3  }
0x62: {  	[tilespmem:v24+s8+$0x0] =	vst.idx.msk $0xffff, v25  }
0x63: {  	v54 =	vor.u32 s13, v9;
	[tilespmem:v53+s8+$0x0] =	vst.idx.msk $0xffff, v26  }
0x64: {  	v24 =	vand.u32 v10, v54;
	v25 =	vld [tilespmem:s12+$0xFFFFFFB0]  }
0x65: {  	v55 =	vor.u32 s13, v11;
	v26 =	vld [tilespmem:s12+$0x30];
	_ =	sdelay $0x3  }
0x66: {  	[tilespmem:v24+s8+$0x0] =	vst.idx.msk $0xffff, v25  }
0x67: {  	v56 =	vor.u32 s13, v12;
	[tilespmem:v55+s8+$0x0] =	vst.idx.msk $0xffff, v26  }
0x68: {  	v24 =	vand.u32 v13, v56;
	v25 =	vld [tilespmem:s12+$0xFFFFFFC0]  }
0x69: {  	v57 =	vor.u32 s13, v14;
	v26 =	vld [tilespmem:s12+$0x40];
	_ =	sdelay $0x3  }
0x6a: {  	[tilespmem:v24+s8+$0x0] =	vst.idx.msk $0xffff, v25  }
0x6b: {  	v58 =	vor.u32 s13, v15;
	[tilespmem:v57+s8+$0x0] =	vst.idx.msk $0xffff, v26  }
0x6c: {  	v24 =	vand.u32 v16, v58;
	v25 =	vld [tilespmem:s12+$0xFFFFFFD0]  }
0x6d: {  	v59 =	vor.u32 s13, v17;
	v26 =	vld [tilespmem:s12+$0x50];
	_ =	sdelay $0x3  }
0x6e: {  	[tilespmem:v24+s8+$0x0] =	vst.idx.msk $0xffff, v25  }
0x6f: {  	v60 =	vor.u32 s13, v18;
	[tilespmem:v59+s8+$0x0] =	vst.idx.msk $0xffff, v26  }
0x70: {  	v24 =	vand.u32 v19, v60;
	v25 =	vld [tilespmem:s12+$0xFFFFFFE0]  }
0x71: {  	v61 =	vor.u32 s13, v20;
	v26 =	vld [tilespmem:s12+$0x60];
	_ =	sdelay $0x3  }
0x72: {  	[tilespmem:v24+s8+$0x0] =	vst.idx.msk $0xffff, v25  }
0x73: {  	v62 =	vor.u32 s13, v21;
	[tilespmem:v61+s8+$0x0] =	vst.idx.msk $0xffff, v26  }
0x74: {  	v24 =	vand.u32 v22, v62;
	v25 =	vld [tilespmem:s12+$0xFFFFFFF0]  }
0x75: {  	v63 =	vor.u32 s13, v23;
	v26 =	vld [tilespmem:s12+$0x70];
	_ =	sdelay $0x2  }
0x76: {  	s10 =	sadd.s32 $0x1, s10  }
0x77: {  	p0 =	sne.s32 s10, $0x18;
	[tilespmem:v24+s8+$0x0] =	vst.idx.msk $0xffff, v25  }
.Ltmp1:
0x78: {  	s11 =	sadd.s32 s2, s11;
	[tilespmem:v63+s8+$0x0] =	vst.idx.msk $0xffff, v26;
	(pc) =	sbr.rel @p0 .LBB2_2-.Ltmp1, $4  }
0x79: {  	[hbm4b:s11+s4] =	stream.linear.scatter [tilespmem:s8], [sflag:$0x1], $0x4000, $0x38;
	[tilespmem:$0x8000] =	vst v63  }
0x7a: {  	_ =	swait.ge [sflag:s7], $0x4000  }
0x7b: {  	[sflag:s7] =	ssyncset.done $0x0  }
0x7c: {  	[sflag:s7] =	ssyncadd.s32 $0xFFFFC000  }
0x7d: {  	s9 =	sadd.s32 $0x1, s9  }
0x7e: {  	p0 =	sne.s32 s9, s6  }
.Ltmp2:
0x7f: {  	_ = 	snop;
	(pc) =	sbr.rel @p0 .LBB2_1-.Ltmp2, $1  }
0x80: {  	_ =	sdelay $0x3  }
0x81: {  	_ =	sfence.sel $0x180000  }
0x82: {  	[bflag:$0x0] =	sbarrier.arrive $0xFFFF  }
0x83: {  	p0 =	sne.s32 s3, $0x0;
	_ =	strace $0x90000047  }
0x84: {  	s0 =	sadd.s32 @!p0 $0x100000, s1;
	[bflag:$0x2] =	sbarrier.arrive $0xFFFF  }
0x85: {  	[sflag:s0] =	ssyncadd.tile.s32 @!p0 $0x1;
	_ =	shalt  }
.Lfunc_end2:
_tile_overlayer_lowered:
.L_overlay_start_2:
0x86: {  	(tag) =	ssettag $0x2  }
0x87: {  	s0 =	rddreg [dreg:$0x0];
	s2 =	stileid.u32  }
0x88: {  	s1 =	rddreg [dreg:$0x1];
	p0 =	sne.s32 s2, $0x0  }
0x89: {  	s3 =	rddreg [dreg:$0x2];
	[bflag:$0x3] =	sbarrier.arrive $0xFFFF;
	s2 =	simm.s32 @!p0 $0x1C01  }
0x8a: {  	[timem:s3], [sflag:s2] =	dma.local @!p0 [hbm:s0], s1  }
0x8b: {  	s0 =	simm.s32 @!p0 $0x1  }
0x8c: {  	_ =	swait.ge @!p0 [sflag:s0], s1  }
0x8d: {  	s1 =	ssub.s32 @!p0 $0x0, s1;
	[sflag:s0] =	ssyncset.done @!p0 $0x0  }
0x8e: {  	[sflag:s0] =	ssyncadd.s32 @!p0 s1  }
0x8f: {  	[bflag:$0x3] =	sbarrier.arrive $0xFFFF  }
0x90: {  	_ =	shalt  }

// kernel: sparse-core-data-format-call.cloned.1.call-start
scs
called_computation_lowered:
.L_overlay_start_0:
0x0: {  	s2 =	sld [smem:$0x3FD9]  }
0x1: {  	s3 =	sld [smem:$0x3FFE];
	_ =	sdelay $0x1  }
0x2: {  	s1 =	srdreg.scid  }
0x3: {  	s0 =	sand.u32 $0x1, s1  }
0x4: {  	s18 =	sshll.u32 s0, $0xA;
	s2 =	sadd.s32 s3, s2  }
0x5: {  	s2 =	sadd.s32 s2, s18  }
0x6: {  	[smem:$0x3FC7] =	sst s2  }
0x7: {  	_ = 	snop  }
0x8: {  	s2 =	sld [smem:$0x3FD0];
	(tm) =	ssettm $0x1  }
0x9: {  	s19 =	sld [smem:$0x3FFB];
	_ =	sdelay $0x3  }
0xa: {  	_ =	strace s19  }
0xb: {  	s3 =	sld [smem:$0x3FFC];
	_ =	sdelay $0x3  }
0xc: {  	_ =	strace s3  }
0xd: {  	s3 =	sld [smem:$0x3FFD];
	_ =	sdelay $0x3  }
0xe: {  	_ =	strace s3  }
0xf: {  	_ =	strace $0x8FFFFFFF  }
0x10: {  	s20 =	sld [smem:$0x3FDB];
	_ =	sdelay $0x1  }
0x11: {  	s4 =	simm.s32 $_scs_section_size  }
0x12: {  	s5 =	simm.s32 $_size__tile_overlayer_lowered;
	s6 =	simm.s32 $_tile_overlayer_lowered  }
0x13: {  	s23 =	simm.s32 $0x1BFF;
	s22 =	sshll.u32 s6, $0x1;
	s3 =	sadd.s32 s4, s20  }
0x14: {  	s7 =	simm.s32 $0x0;
	s21 =	sshll.u32 s5, $0x1;
	s5 =	sadd.s32 s22, s3  }
0x15: {  	[timem:s7], [sflag:s23] =	dma.local [hbm:s5], s21  }
0x16: {  	_ =	swait.ge [sflag:s23], s21  }
0x17: {  	s4 =	ssub.s32 $0x0, s21;
	[sflag:s23] =	ssyncset.done $0x0  }
0x18: {  	[sflag:s23] =	ssyncadd.s32 s4;
	_ =	sdelay $0x1  }
0x19: {  	s24 =	simm.s32 $0x1B8B  }
0x1a: {  	_ =	swait.ge [sflag:s24], $0x1  }
0x1b: {  	[sflag:s24] =	ssyncset.done $0x0  }
0x1c: {  	s26 =	simm.s32 $0x1B8E;
	s25 =	sld [smem:$0x3FFE];
	[sflag:s24] =	ssyncadd.s32 $0xFFFFFFFF  }
0x1d: {  	s27 =	simm.s32 $execute0_lowered;
	[smem:$0x3FD2] =	sst s26  }
0x1e: {  	s5 =	sshll.u32 s27, $0x1;
	_ =	strace $0x80000049;
	[dreg:$0x1] =	wrdreg $0xFFFFFFFF  }
0x1f: {  	s28 =	simm.s32 $_size_execute0_lowered;
	s3 =	sadd.s32 s3, s5;
	[dreg:$0x0] =	wrdreg $0x0  }
0x20: {  	s5 =	sshll.u32 s28, $0x1;
	[dreg:$0x2] =	wrdreg s3  }
0x21: {  	[dreg:$0x3] =	wrdreg s5  }
0x22: {  	[dreg:$0x4] =	wrdreg $0xC0  }
0x23: {  	_ =	task [dreg:s7], $0x5FFFF  }
0x24: {  	[dreg:$0x1] =	wrdreg $0xFFFFFFFF  }
0x25: {  	[dreg:$0x0] =	wrdreg $0x60  }
0x26: {  	[dreg:$0x2] =	wrdreg s25  }
0x27: {  	[dreg:$0x3] =	wrdreg s2  }
0x28: {  	[dreg:$0x4] =	wrdreg $0x9  }
0x29: {  	_ =	task.clear_ibuf [dreg:s7], $0x5FFFF;
	_ =	strace $0x90000049  }
0x2a: {  	s29 =	simm.s32 $0x9;
	_ =	strace $0x8000004B  }
0x2b: {  	_ =	swait.ge [sflag:s29], $0x1  }
0x2c: {  	[sflag:s29] =	ssyncadd.s32 $0xFFFFFFFF  }
0x2d: {  	_ =	strace $0x9000004B  }
0x2e: {  	_ =	sfence  }
0x2f: {  	s30 =	sld [smem:$0x0];
	_ =	sdelay $0x2  }
0x30: {  	s31 =	sshll.u32 s1, $0xD;
	s1 =	sshrl.u32 s1, $0x2  }
0x31: {  	s3 =	sand.u32 $0x4000, s31;
	s1 =	sadd.s32 s1, s30  }
0x32: {  	s0 =	sor.u32 s3, s0;
	s1 =	sshll.u32 s1, $0x11  }
0x33: {  	s0 =	sor.u32 s1, s0  }
0x34: {  	s0 =	sadd.s32 $0x8F2B, s0  }
0x35: {  	[sflag:s0] =	ssyncadd.remote.s32 $0x1  }
0x36: {  	_ =	sfence.sel $0xFFFF  }
0x37: {  	[dreg:$0x0] =	wrdreg $0xFFFFFFFF;
	(pc) =	sbr.abs _section_cstart, $3  }
0x38: {  	[dreg:$0x1] =	wrdreg $0xFFFFFFFF  }
0x39: {  	_ =	task.clear_ibuf [dreg:s7], $0x2FFFF;
	_ =	strace $0x9FFFFFFF  }
0x3a: {  	(tm) =	ssettm $0x7FFFFFFF  }
0x3b: {  	_ =	shalt  }
tec
execute0_lowered:
.L_overlay_start_1:
0x0: {  	(tag) =	ssettag $0x1  }
0x1: {  	s0 =	srdreg.scid  }
0x2: {  	s1 =	sshll.u32 s0, $0x4  }
0x3: {  	s6 =	rddreg [dreg:$0x0];
	s0 =	stileid.u32;
	s1 =	sand.u32 $0x10, s1  }
0x4: {  	s3 =	rddreg [dreg:$0x1];
	s1 =	sor.u32 s0, s1  }
0x5: {  	s7 =	simm.s32 $0x1;
	s8 =	simm.s32 $0x2;
	s2 =	sshll.u32 s1, $0x7  }
0x6: {  	s10 =	simm.s32 $0x0;
	s9 =	simm.s32 $0x0;
	s5 =	ssub.s32 $0x174400, s2  }
.Ltmp0:
0x7: {  	s6 =	sadd.s32 $0x800, s6;
	s4 =	sand.u32 $0xF80, s5;
	(pc) =	sbr.rel .LBB1_1-.Ltmp0, $4  }
0x8: {  	s1 =	rddreg [dreg:$0x2];
	_ =	strace $0x8000004A;
	p0 =	sne.s32 s4, $0x0  }
0x9: {  	s5 =	sshrl.u32 s5, $0xC;
	s4 =	simm.s32 $0x1;
	s7 =	simm.s32 @!p0 $0x0  }
0xa: {  	[sflag:s4] =	ssyncpa.u1 $0x0;
	p0 =	por $0x0, $0x0;
	s5 =	sadd.s32 s7, s5  }
0xb: {  	[sflag:s8] =	ssyncpa.u1 $0x0;
	s8 =	smov.u32 s2;
	s7 =	sadd.s32 $0x1, s5  }
.LBB1_4:
0xc: {  	[tilespmem:s20+$0xFFFFFFFA ss:$0x81] =	vst.msk $0xff, v4  }
0xd: {  	v4 =	vld.msk [tilespmem:s22+$0xFFFFFFF0], $0xff;
	_ =	sdelay $0x3  }
0xe: {  	[tilespmem:s17+$0xFFFFFFFB ss:$0x81] =	vst.msk $0xff, v3  }
0xf: {  	v3 =	vld.msk [tilespmem:s19+$0xFFFFFFF8], $0xff;
	[tilespmem:s20+$0xFFFFFFFB ss:$0x81] =	vst.msk $0xff, v4  }
0x10: {  	v4 =	vld.msk [tilespmem:s22+$0xFFFFFFF8], $0xff;
	_ =	sdelay $0x3  }
0x11: {  	v5 =	vld.msk [tilespmem:s18+$0x0], $0xff;
	[tilespmem:s17+$0xFFFFFFFC ss:$0x81] =	vst.msk $0xff, v3  }
0x12: {  	v3 =	vld.msk [tilespmem:s19+$0x0], $0xff;
	[tilespmem:s20+$0xFFFFFFFC ss:$0x81] =	vst.msk $0xff, v4  }
0x13: {  	v4 =	vld.msk [tilespmem:s22+$0x0], $0xff;
	_ =	sdelay $0x2  }
0x14: {  	[tilespmem:s16+$0xFFFFFFFD ss:$0x81] =	vst.msk $0xff, v5  }
0x15: {  	v5 =	vld.msk [tilespmem:s18+$0x8], $0xff;
	[tilespmem:s17+$0xFFFFFFFD ss:$0x81] =	vst.msk $0xff, v3  }
0x16: {  	v3 =	vld.msk [tilespmem:s19+$0x8], $0xff;
	[tilespmem:s20+$0xFFFFFFFD ss:$0x81] =	vst.msk $0xff, v4  }
0x17: {  	v4 =	vld.msk [tilespmem:s22+$0x8], $0xff;
	_ =	sdelay $0x1  }
0x18: {  	[tilespmem:s13+$0xFFFFFFFE ss:$0x81] =	vst.msk $0xff, v2  }
0x19: {  	v2 =	vld.msk [tilespmem:s15+$0x10], $0xff;
	[tilespmem:s16+$0xFFFFFFFE ss:$0x81] =	vst.msk $0xff, v5  }
0x1a: {  	v5 =	vld.msk [tilespmem:s18+$0x10], $0xff;
	[tilespmem:s17+$0xFFFFFFFE ss:$0x81] =	vst.msk $0xff, v3  }
0x1b: {  	v3 =	vld.msk [tilespmem:s19+$0x10], $0xff;
	[tilespmem:s20+$0xFFFFFFFE ss:$0x81] =	vst.msk $0xff, v4  }
0x1c: {  	v4 =	vld.msk [tilespmem:s22+$0x10], $0xff  }
0x1d: {  	[tilespmem:s12+$0xFFFFFFFF ss:$0x81] =	vst.msk $0xff, v1  }
0x1e: {  	s25 =	sshll.u32 s10, $0x3;
	v1 =	vld.msk [tilespmem:s14+$0x18], $0xff;
	[tilespmem:s13+$0xFFFFFFFF ss:$0x81] =	vst.msk $0xff, v2  }
0x1f: {  	s26 =	sshrl.u32 s25, $0xA;
	v2 =	vld.msk [tilespmem:s15+$0x18], $0xff;
	[tilespmem:s16+$0xFFFFFFFF ss:$0x81] =	vst.msk $0xff, v5  }
0x20: {  	s15 =	smulhi.u32 $0x5806E1, s26;
	v61 =	vld.msk [tilespmem:s18+$0x18], $0xff;
	[tilespmem:s17+$0xFFFFFFFF ss:$0x81] =	vst.msk $0xff, v3  }
0x21: {  	v62 =	vld.msk [tilespmem:s19+$0x18], $0xff;
	[tilespmem:s20+$0xFFFFFFFF ss:$0x81] =	vst.msk $0xff, v4  }
0x22: {  	[tilespmem:s11+$0x0 ss:$0x81] =	vst.msk $0xff, v0;
	s27 =	sand.u32 $0x7F, s10;
	s28 =	sshrl.u32 s15, $0x1;
	v63 =	vld.msk [tilespmem:s22+$0x18], $0xff  }
0x23: {  	s29 =	sand.u32 $0xFFFFFC00, s25;
	[tilespmem:s12+$0x0 ss:$0x81] =	vst.msk $0xff, v1;
	s30 =	smul.u32 $0x174400, s28;
	s11 =	sand.u32 $0x7, s28  }
0x24: {  	s10 =	sor.u32 s27, s29;
	s11 =	smul.u32 $0x2E880, s11;
	[tilespmem:s13+$0x0 ss:$0x81] =	vst.msk $0xff, v2  }
0x25: {  	s10 =	ssub.s32 s10, s30;
	[tilespmem:s16+$0x0 ss:$0x81] =	vst.msk $0xff, v61  }
0x26: {  	s31 =	sshrl.u32 s10, $0x3;
	s11 =	sadd.s32 s3, s11;
	[tilespmem:s17+$0x0 ss:$0x81] =	vst.msk $0xff, v62  }
0x27: {  	s10 =	sand.u32 $0x7, s10;
	s11 =	sadd.s32 s31, s11;
	[tilespmem:s20+$0x0 ss:$0x81] =	vst.msk $0xff, v63  }
0x28: {  	[hbm4b:s11+s10] =	stream.linear.scatter [tilespmem:s21], [sflag:$0x2], $0x400, $0x20;
	[tilespmem:$0x1010] =	vst v63  }
.LBB1_5:
0x29: {  	s12 =	sadd.s32 $0x1000, s8  }
0x2a: {  	p2 =	sgt.s32 s12, $0x1743FF  }
0x2b: {  	s12 =	smov.u32 @p2 s2;
	p2 =	sne.s32 s9, s7  }
.Ltmp1:
0x2c: {  	p1 =	slt.u32 s9, $0x2;
	(pc) =	sbr.rel @!p2 .LBB1_6-.Ltmp1, $4  }
0x2d: {  	s11 =	simm.s32 @!p1 $0x2  }
0x2e: {  	s13 =	sadd.s32 $0x1, s9;
	_ =	swait.ge @!p1 [sflag:s11], $0x400  }
0x2f: {  	s10 =	smov.u32 s8;
	p0 =	por !p0, !p0;
	[sflag:s11] =	ssyncset.done @!p1 $0x0  }
0x30: {  	s9 =	smov.u32 s13;
	s8 =	smov.u32 s12;
	[sflag:s11] =	ssyncadd.s32 @!p1 $0xFFFFFC00  }
.LBB1_1:
0x31: {  	p1 =	sge.u32 s9, s5  }
0x32: {  	s11 =	sand.u32 @!p1 $0x1FFFFFF, s8  }
0x33: {  	s12 =	smulhi.u32 @!p1 $0x2C03705, s11;
	_ =	sdelay $0x1  }
0x34: {  	s12 =	sshrl.u32 @!p1 s12, $0xE  }
0x35: {  	s12 =	smul.u32 @!p1 $0x174400, s12;
	_ =	sdelay $0x1  }
0x36: {  	s31 =	sadd.s32 $0xFFFFFFFF, s9;
	s13 =	sxor.u32 @!p1 $0xFFFFFFFF, s9;
	s11 =	ssub.s32 @!p1 s11, s12  }
0x37: {  	s14 =	simm.s32 @!p1 $0x80;
	s13 =	sshll.u32 @!p1 s13, $0xA;
	s11 =	sshll.u32 @!p1 s11, $0x4  }
0x38: {  	s12 =	sand.u32 @!p1 $0x400, s13;
	s13 =	simm.s32 @!p1 $0x8;
	s11 =	sadd.s32 @!p1 s6, s11  }
0x39: {  	[tilespmem:s12], [sflag:$0x1] =	stream.strided.gather @!p1 [hbm4b:s11+s13], $0x400, s14, s13, $0x38;
	[tilespmem:$0x1010] =	vst v63  }
0x3a: {  	p1 =	sge.u32 s31, s5  }
.Ltmp2:
0x3b: {  	_ = 	snop;
	(pc) =	sbr.rel @p1 .LBB1_5-.Ltmp2, $1  }
0x3c: {  	_ =	sdelay $0x3  }
0x3d: {  	s11 =	simm.s32 $0x1  }
0x3e: {  	_ =	swait.ge [sflag:s4], $0x400;
	s11 =	simm.s32 @!p0 $0x0  }
0x3f: {  	[sflag:s4] =	ssyncset.done $0x0;
	s12 =	sshll.u32 s11, $0xA  }
0x40: {  	[sflag:s4] =	ssyncadd.s32 $0xFFFFFC00;
	s20 =	sor.u32 $0x20, s12  }
0x41: {  	v0 =	vld.msk [tilespmem:s20+$0xFFFFFFE0], $0xff  }
0x42: {  	s11 =	smul.u32 $0x1020, s11;
	_ =	sdelay $0x1  }
0x43: {  	s11 =	sshrl.u32 s11, $0x2  }
0x44: {  	s11 =	sor.u32 $0x807, s11  }
0x45: {  	[tilespmem:s11+$0xFFFFFFF9 ss:$0x81] =	vst.msk $0xff, v0  }
0x46: {  	v0 =	vld.msk [tilespmem:s20+$0xFFFFFFE8], $0xff  }
0x47: {  	s14 =	sadd.s32 $0x40, s20  }
0x48: {  	v1 =	vld.msk [tilespmem:s14+$0xFFFFFFE0], $0xff;
	_ =	sdelay $0x2  }
0x49: {  	[tilespmem:s11+$0xFFFFFFFA ss:$0x81] =	vst.msk $0xff, v0  }
0x4a: {  	s12 =	sadd.s32 $0x8, s11;
	v0 =	vld.msk [tilespmem:s20+$0xFFFFFFF0], $0xff  }
0x4b: {  	[tilespmem:s12+$0xFFFFFFF9 ss:$0x81] =	vst.msk $0xff, v1  }
0x4c: {  	v1 =	vld.msk [tilespmem:s14+$0xFFFFFFE8], $0xff  }
0x4d: {  	s15 =	sadd.s32 $0x40, s14  }
0x4e: {  	v2 =	vld.msk [tilespmem:s15+$0xFFFFFFE0], $0xff  }
0x4f: {  	[tilespmem:s11+$0xFFFFFFFB ss:$0x81] =	vst.msk $0xff, v0  }
0x50: {  	v0 =	vld.msk [tilespmem:s20+$0xFFFFFFF8], $0xff  }
0x51: {  	[tilespmem:s12+$0xFFFFFFFA ss:$0x81] =	vst.msk $0xff, v1  }
0x52: {  	s13 =	sadd.s32 $0x8, s12;
	v1 =	vld.msk [tilespmem:s14+$0xFFFFFFF0], $0xff  }
0x53: {  	[tilespmem:s13+$0xFFFFFFF9 ss:$0x81] =	vst.msk $0xff, v2  }
0x54: {  	s18 =	sadd.s32 $0x40, s15;
	v2 =	vld.msk [tilespmem:s15+$0xFFFFFFE8], $0xff  }
0x55: {  	[tilespmem:s11+$0xFFFFFFFC ss:$0x81] =	vst.msk $0xff, v0;
	v0 =	vld.msk [tilespmem:s18+$0xFFFFFFE0], $0xff  }
0x56: {  	v3 =	vld.msk [tilespmem:s20+$0x0], $0xff  }
0x57: {  	[tilespmem:s12+$0xFFFFFFFB ss:$0x81] =	vst.msk $0xff, v1  }
0x58: {  	v1 =	vld.msk [tilespmem:s14+$0xFFFFFFF8], $0xff  }
0x59: {  	s16 =	sadd.s32 $0x8, s13;
	[tilespmem:s13+$0xFFFFFFFA ss:$0x81] =	vst.msk $0xff, v2  }
0x5a: {  	v2 =	vld.msk [tilespmem:s15+$0xFFFFFFF0], $0xff;
	[tilespmem:s16+$0xFFFFFFF9 ss:$0x81] =	vst.msk $0xff, v0  }
0x5b: {  	v0 =	vld.msk [tilespmem:s18+$0xFFFFFFE8], $0xff;
	[tilespmem:s11+$0xFFFFFFFD ss:$0x81] =	vst.msk $0xff, v3  }
0x5c: {  	s19 =	sadd.s32 $0x40, s18;
	v3 =	vld.msk [tilespmem:s20+$0x8], $0xff  }
0x5d: {  	[tilespmem:s12+$0xFFFFFFFC ss:$0x81] =	vst.msk $0xff, v1;
	v1 =	vld.msk [tilespmem:s19+$0xFFFFFFE0], $0xff  }
0x5e: {  	v4 =	vld.msk [tilespmem:s14+$0x0], $0xff  }
0x5f: {  	[tilespmem:s13+$0xFFFFFFFB ss:$0x81] =	vst.msk $0xff, v2  }
0x60: {  	v2 =	vld.msk [tilespmem:s15+$0xFFFFFFF8], $0xff;
	[tilespmem:s16+$0xFFFFFFFA ss:$0x81] =	vst.msk $0xff, v0  }
0x61: {  	s17 =	sadd.s32 $0x8, s16;
	v0 =	vld.msk [tilespmem:s18+$0xFFFFFFF0], $0xff;
	[tilespmem:s11+$0xFFFFFFFE ss:$0x81] =	vst.msk $0xff, v3  }
0x62: {  	[tilespmem:s17+$0xFFFFFFF9 ss:$0x81] =	vst.msk $0xff, v1;
	v1 =	vld.msk [tilespmem:s20+$0x10], $0xff  }
0x63: {  	[tilespmem:s12+$0xFFFFFFFD ss:$0x81] =	vst.msk $0xff, v4;
	v3 =	vld.msk [tilespmem:s19+$0xFFFFFFE8], $0xff  }
0x64: {  	s22 =	sadd.s32 $0x40, s19;
	v4 =	vld.msk [tilespmem:s14+$0x8], $0xff  }
0x65: {  	[tilespmem:s13+$0xFFFFFFFC ss:$0x81] =	vst.msk $0xff, v2;
	v2 =	vld.msk [tilespmem:s22+$0xFFFFFFE0], $0xff  }
0x66: {  	v5 =	vld.msk [tilespmem:s15+$0x0], $0xff;
	[tilespmem:s16+$0xFFFFFFFB ss:$0x81] =	vst.msk $0xff, v0  }
0x67: {  	v6 =	vld.msk [tilespmem:s18+$0xFFFFFFF8], $0xff;
	[tilespmem:s11+$0xFFFFFFFF ss:$0x81] =	vst.msk $0xff, v1  }
0x68: {  	s21 =	sand.u32 $0x1, s9;
	[tilespmem:s17+$0xFFFFFFFA ss:$0x81] =	vst.msk $0xff, v3;
	v0 =	vld.msk [tilespmem:s20+$0x18], $0xff  }
0x69: {  	s21 =	smul.u32 $0x1020, s21;
	[tilespmem:s12+$0xFFFFFFFE ss:$0x81] =	vst.msk $0xff, v4;
	v3 =	vld.msk [tilespmem:s19+$0xFFFFFFF0], $0xff;
	s20 =	sadd.s32 $0x8, s17  }
0x6a: {  	v1 =	vld.msk [tilespmem:s14+$0x10], $0xff;
	[tilespmem:s20+$0xFFFFFFF9 ss:$0x81] =	vst.msk $0xff, v2  }
0x6b: {  	s21 =	sshrl.u32 s21, $0x2;
	[tilespmem:s13+$0xFFFFFFFD ss:$0x81] =	vst.msk $0xff, v5;
	v4 =	vld.msk [tilespmem:s22+$0xFFFFFFE8], $0xff  }
0x6c: {  	s23 =	simm.s32 $0x28;
	s21 =	sor.u32 $0x800, s21;
	s24 =	sadd.s32 $0x40, s22;
	v2 =	vld.msk [tilespmem:s15+$0x8], $0xff;
	[tilespmem:s16+$0xFFFFFFFC ss:$0x81] =	vst.msk $0xff, v6  }
.LBB1_3:
0x6d: {  	v5 =	vld.msk [tilespmem:s24+$0xFFFFFFE0], $0xff;
	[tilespmem:s11+$0x0 ss:$0x81] =	vst.msk $0xff, v0;
	s11 =	smov.u32 s12;
	s12 =	smov.u32 s13;
	s13 =	smov.u32 s16  }
0x6e: {  	s23 =	sadd.s32 $0x8, s23;
	s16 =	smov.u32 s17;
	[tilespmem:s17+$0xFFFFFFFB ss:$0x81] =	vst.msk $0xff, v3;
	v6 =	vld.msk [tilespmem:s18+$0x0], $0xff;
	s17 =	smov.u32 s20  }
0x6f: {  	p1 =	slt.u32 s23, $0x78;
	v7 =	vld.msk [tilespmem:s19+$0xFFFFFFF8], $0xff;
	[tilespmem:s11+$0xFFFFFFFF ss:$0x81] =	vst.msk $0xff, v1  }
.Ltmp3:
0x70: {  	[tilespmem:s20+$0xFFFFFFFA ss:$0x81] =	vst.msk $0xff, v4;
	v0 =	vld.msk [tilespmem:s14+$0x18], $0xff;
	s14 =	smov.u32 s15;
	s15 =	smov.u32 s18;
	(pc) =	sbr.rel @p1 .LBB1_3-.Ltmp3, $4  }
0x71: {  	s20 =	sadd.s32 $0x8, s20;
	s18 =	smov.u32 s19;
	s19 =	smov.u32 s22;
	v3 =	vld.msk [tilespmem:s22+$0xFFFFFFF0], $0xff;
	[tilespmem:s12+$0xFFFFFFFE ss:$0x81] =	vst.msk $0xff, v2  }
0x72: {  	s22 =	smov.u32 s24;
	[tilespmem:s20+$0xFFFFFFF9 ss:$0x81] =	vst.msk $0xff, v5;
	v1 =	vld.msk [tilespmem:s14+$0x10], $0xff  }
0x73: {  	v4 =	vld.msk [tilespmem:s24+$0xFFFFFFE8], $0xff;
	[tilespmem:s13+$0xFFFFFFFD ss:$0x81] =	vst.msk $0xff, v6  }
0x74: {  	s24 =	sadd.s32 $0x40, s24;
	[tilespmem:s16+$0xFFFFFFFC ss:$0x81] =	vst.msk $0xff, v7;
	v2 =	vld.msk [tilespmem:s15+$0x8], $0xff  }
.Ltmp4:
0x75: {  	_ = 	snop;
	(pc) =	sbr.rel .LBB1_4-.Ltmp4, $1  }
0x76: {  	_ =	sdelay $0x3  }
.LBB1_6:
0x77: {  	_ =	sfence.sel $0x180000  }
0x78: {  	s2 =	simm.s32 $0x1;
	[bflag:$0x0] =	sbarrier.arrive $0xFFFF  }
0x79: {  	s31 =	simm.s32 $0x2;
	[sflag:s2] =	ssyncpa.u1 $0x1  }
0x7a: {  	[sflag:s31] =	ssyncpa.u1 $0x1  }
0x7b: {  	p0 =	sne.s32 s0, $0x0;
	_ =	strace $0x9000004A  }
0x7c: {  	s0 =	sadd.s32 @!p0 $0x100000, s1;
	[bflag:$0x2] =	sbarrier.arrive $0xFFFF  }
0x7d: {  	[sflag:s0] =	ssyncadd.tile.s32 @!p0 $0x1;
	_ =	shalt  }
.Lfunc_end1:
_tile_overlayer_lowered:
.L_overlay_start_2:
0x7e: {  	(tag) =	ssettag $0x2  }
0x7f: {  	s0 =	rddreg [dreg:$0x0];
	s2 =	stileid.u32  }
0x80: {  	s1 =	rddreg [dreg:$0x1];
	p0 =	sne.s32 s2, $0x0  }
0x81: {  	s3 =	rddreg [dreg:$0x2];
	[bflag:$0x3] =	sbarrier.arrive $0xFFFF;
	s2 =	simm.s32 @!p0 $0x1C01  }
0x82: {  	[timem:s3], [sflag:s2] =	dma.local @!p0 [hbm:s0], s1  }
0x83: {  	s0 =	simm.s32 @!p0 $0x1  }
0x84: {  	_ =	swait.ge @!p0 [sflag:s0], s1  }
0x85: {  	s1 =	ssub.s32 @!p0 $0x0, s1;
	[sflag:s0] =	ssyncset.done @!p0 $0x0  }
0x86: {  	[sflag:s0] =	ssyncadd.s32 @!p0 s1  }
0x87: {  	[bflag:$0x3] =	sbarrier.arrive $0xFFFF  }
0x88: {  	_ =	shalt  }

</sc_bundles>
